<compile_context>
chip_gen: v7x
topology: tpu7x:2x2x1
jax: 0.10.2.dev20260603
libtpu: 0.0.44.dev20260713+nightly
codegen_flags: <defaults>
</compile_context>

<pallas_src>
import functools

import jax
import jax.numpy as jnp
from jax import lax
from jax.experimental import pallas as pl
from jax.experimental.pallas import tpu as pltpu
from jax.experimental.pallas import tpu_sc as plsc

N = 10000
NPAD = 10240
D = 128
E = 320000

NC = 2
NS = 16
NW = NC * NS
EPW = E // NW
CHUNK = 80
NCHUNK = EPW // CHUNK
ROWS_PT = NPAD // NS

_MESH = plsc.VectorSubcoreMesh(
    core_axis_name="c", subcore_axis_name="s", num_cores=NC, num_subcores=NS)



def _deg_body(dst_hbm, ones_hbm, zeros_hbm, out_hbm,
              didx0, didx1, ones_v, semi0, semi1, acc):
  c = lax.axis_index("c")
  s = lax.axis_index("s")
  w = c * NS + s
  base = w * EPW

  def idx_load(j, didx, semi):
    pltpu.async_copy(dst_hbm.at[pl.ds(base + j * CHUNK, CHUNK)], didx, semi)

  def idx_wait(didx, semi):
    pltpu.make_async_copy(dst_hbm.at[pl.ds(base, CHUNK)], didx, semi).wait()

  idx_load(0, didx0, semi0)
  idx_load(1, didx1, semi1)
  pltpu.sync_copy(ones_hbm, ones_v)
  pltpu.sync_copy(zeros_hbm.at[pl.ds(s * ROWS_PT, ROWS_PT)],
                  acc.at[pl.ds(s * ROWS_PT, ROWS_PT)])
  plsc.subcore_barrier()

  def step(j, didx_a, semi_a, didx_b, semi_b):
    idx_wait(didx_a, semi_a)
    pltpu.sync_copy(ones_v, acc.at[didx_a], add=True)

    @pl.when(j + 2 < NCHUNK)
    def _():
      idx_load(j + 2, didx_a, semi_a)

  def body(jj, carry):
    j0 = jj * 2
    step(j0, didx0, semi0, didx1, semi1)

    @pl.when(j0 + 1 < NCHUNK)
    def _():
      step(j0 + 1, didx1, semi1, didx0, semi0)

    return carry

  lax.fori_loop(0, (NCHUNK + 1) // 2, body, 0)
  plsc.subcore_barrier()
  pltpu.sync_copy(acc.at[pl.ds(s * ROWS_PT, ROWS_PT)],
                  out_hbm.at[c, pl.ds(s * ROWS_PT, ROWS_PT)])


_deg_call = pl.kernel(
    _deg_body,
    out_type=jax.ShapeDtypeStruct((NC, NPAD, D), jnp.float32),
    mesh=_MESH,
    scratch_types=[
        pltpu.VMEM((CHUNK,), jnp.int32),
        pltpu.VMEM((CHUNK,), jnp.int32),
        pltpu.VMEM((CHUNK, D), jnp.float32),
        pltpu.SemaphoreType.DMA,
        pltpu.SemaphoreType.DMA,
        pltpu.VMEM_SHARED((NPAD, D), jnp.float32),
    ],
)


def _agg_body(g_hbm, src_hbm, dst_hbm, zeros_hbm, out_hbm,
              sidx0, sidx1, didx0, didx1, rows0, rows1,
              semi0, semi1, semg0, semg1, acc):
  c = lax.axis_index("c")
  s = lax.axis_index("s")
  w = c * NS + s
  base = w * EPW

  def idx_load(j, sidx, didx, semi):
    pltpu.async_copy(src_hbm.at[pl.ds(base + j * CHUNK, CHUNK)], sidx, semi)
    pltpu.async_copy(dst_hbm.at[pl.ds(base + j * CHUNK, CHUNK)], didx, semi)

  def idx_wait(sidx, didx, semi):
    pltpu.make_async_copy(src_hbm.at[pl.ds(base, CHUNK)], sidx, semi).wait()
    pltpu.make_async_copy(dst_hbm.at[pl.ds(base, CHUNK)], didx, semi).wait()

  idx_load(0, sidx0, didx0, semi0)
  pltpu.sync_copy(zeros_hbm.at[pl.ds(s * ROWS_PT, ROWS_PT)],
                  acc.at[pl.ds(s * ROWS_PT, ROWS_PT)])
  idx_wait(sidx0, didx0, semi0)
  plsc.subcore_barrier()
  pltpu.async_copy(g_hbm.at[sidx0], rows0, semg0)
  idx_load(1, sidx1, didx1, semi1)

  def step(j, sidx_a, didx_a, rows_a, semi_a, semg_a,
           sidx_b, didx_b, rows_b, semi_b, semg_b):
    pltpu.make_async_copy(g_hbm.at[sidx_a], rows_a, semg_a).wait()

    @pl.when(j + 1 < NCHUNK)
    def _():
      idx_wait(sidx_b, didx_b, semi_b)
      pltpu.async_copy(g_hbm.at[sidx_b], rows_b, semg_b)

    pltpu.sync_copy(rows_a, acc.at[didx_a], add=True)

    @pl.when(j + 2 < NCHUNK)
    def _():
      idx_load(j + 2, sidx_a, didx_a, semi_a)

  def body(jj, carry):
    j0 = jj * 2
    step(j0, sidx0, didx0, rows0, semi0, semg0,
         sidx1, didx1, rows1, semi1, semg1)

    @pl.when(j0 + 1 < NCHUNK)
    def _():
      step(j0 + 1, sidx1, didx1, rows1, semi1, semg1,
           sidx0, didx0, rows0, semi0, semg0)

    return carry

  lax.fori_loop(0, (NCHUNK + 1) // 2, body, 0)
  plsc.subcore_barrier()
  pltpu.sync_copy(acc.at[pl.ds(s * ROWS_PT, ROWS_PT)],
                  out_hbm.at[c, pl.ds(s * ROWS_PT, ROWS_PT)])


_agg_call = pl.kernel(
    _agg_body,
    out_type=jax.ShapeDtypeStruct((NC, NPAD, D), jnp.float32),
    mesh=_MESH,
    scratch_types=[
        pltpu.VMEM((CHUNK,), jnp.int32),
        pltpu.VMEM((CHUNK,), jnp.int32),
        pltpu.VMEM((CHUNK,), jnp.int32),
        pltpu.VMEM((CHUNK,), jnp.int32),
        pltpu.VMEM((CHUNK, D), jnp.float32),
        pltpu.VMEM((CHUNK, D), jnp.float32),
        pltpu.SemaphoreType.DMA,
        pltpu.SemaphoreType.DMA,
        pltpu.SemaphoreType.DMA,
        pltpu.SemaphoreType.DMA,
        pltpu.VMEM_SHARED((NPAD, D), jnp.float32),
    ],
)



BR = 1000


def _dinv(degp_ref):
  deg = degp_ref[0, :, 0:1] + degp_ref[1, :, 0:1] + 1.0
  return lax.rsqrt(deg)


def _tc1_body(x_ref, w_ref, degp_ref, g_ref):
  dinv = _dinv(degp_ref)
  g_ref[...] = jnp.dot(x_ref[...], w_ref[...],
                       preferred_element_type=jnp.float32) * dinv


def _tc2_body(qp_ref, g1_ref, degp_ref, b_ref, w_ref, g2_ref):
  dinv = _dinv(degp_ref)
  a = qp_ref[0] + qp_ref[1] + g1_ref[...]
  a = jnp.maximum(dinv * a + b_ref[...], 0.0)
  g2_ref[...] = jnp.dot(a, w_ref[...],
                        preferred_element_type=jnp.float32) * dinv


def _tc3_body(qp_ref, g2_ref, degp_ref, b_ref, out_ref):
  dinv = _dinv(degp_ref)
  out_ref[...] = dinv * (qp_ref[0] + qp_ref[1] + g2_ref[...]) + b_ref[...]


_row_spec = pl.BlockSpec((BR, D), lambda i: (i, 0))
_qp_spec = pl.BlockSpec((NC, BR, D), lambda i: (0, i, 0))
_degp_spec = pl.BlockSpec((NC, BR, D), lambda i: (0, i, 0))
_w_spec = pl.BlockSpec((D, D), lambda i: (0, 0))
_b_spec = pl.BlockSpec((1, D), lambda i: (0, 0))
_GRID = (N // BR,)

_tc1_call = pl.pallas_call(
    _tc1_body,
    grid=_GRID,
    in_specs=[_row_spec, _w_spec, _degp_spec],
    out_specs=_row_spec,
    out_shape=jax.ShapeDtypeStruct((N, D), jnp.float32),
)

_tc2_call = pl.pallas_call(
    _tc2_body,
    grid=_GRID,
    in_specs=[_qp_spec, _row_spec, _degp_spec, _b_spec, _w_spec],
    out_specs=_row_spec,
    out_shape=jax.ShapeDtypeStruct((N, D), jnp.float32),
)

_tc3_call = pl.pallas_call(
    _tc3_body,
    grid=_GRID,
    in_specs=[_qp_spec, _row_spec, _degp_spec, _b_spec],
    out_specs=_row_spec,
    out_shape=jax.ShapeDtypeStruct((N, D), jnp.float32),
)



@jax.jit
def kernel(x, edge_index, W1, b1, W2, b2):
  src_flat = edge_index[0]
  dst_flat = edge_index[1]
  onesD = jnp.ones((CHUNK, D), jnp.float32)
  zerosD = jnp.zeros((NPAD, D), jnp.float32)

  degp = _deg_call(dst_flat, onesD, zerosD)
  g1 = _tc1_call(x, W1, degp)
  q1 = _agg_call(g1, src_flat, dst_flat, zerosD)
  g2 = _tc2_call(q1, g1, degp, b1.reshape(1, D), W2)
  q2 = _agg_call(g2, src_flat, dst_flat, zerosD)
  return _tc3_call(q2, g2, degp, b2.reshape(1, D))

# --- scband reference (transcript-rebuilt; emitter-appended) ---
"""Pipeline reference for scband-small-gcn-5557687681608 (READ-ONLY COPY).

The authoritative reference and input builder live on the scoring server;
editing this copy changes nothing except your own understanding.
"""

import jax, jax.numpy as jnp
import numpy as np

N = 10000
E = 320000
D_IN = 128
D_HID = 128
D_OUT = 128


def setup_inputs(seed: int = 0) -> dict:
    key = jax.random.key(seed)
    k1, k2, k3, k4 = jax.random.split(key, 4)
    x = jax.random.normal(k1, (N, D_IN), dtype=jnp.float32)
    edge_index = jax.random.randint(k2, (2, E), 0, N, dtype=jnp.int32)
    W1 = jax.random.normal(k3, (D_IN, D_HID), dtype=jnp.float32) * 0.05
    b1 = jnp.zeros((D_HID,), dtype=jnp.float32)
    W2 = jax.random.normal(k4, (D_HID, D_OUT), dtype=jnp.float32) * 0.05
    b2 = jnp.zeros((D_OUT,), dtype=jnp.float32)
    return {"x": x, "edge_index": edge_index, "W1": W1, "b1": b1, "W2": W2, "b2": b2}


def _gcn_layer(x, edge_index, W, b):
    # GCNConv(normalize=True): add self-loops, symmetric degree normalization
    n = x.shape[0]
    src = edge_index[0]
    dst = edge_index[1]
    loop = jnp.arange(n, dtype=src.dtype)
    src_f = jnp.concatenate([src, loop])
    dst_f = jnp.concatenate([dst, loop])
    ew = jnp.ones(src_f.shape[0], dtype=x.dtype)
    deg = jax.ops.segment_sum(ew, dst_f, num_segments=n)
    dinv = jnp.where(deg > 0, 1.0 / jnp.sqrt(deg), 0.0)
    norm = dinv[src_f] * ew * dinv[dst_f]
    h = x @ W
    msg = jnp.take(h, src_f, axis=0) * norm[:, None]
    out = jax.ops.segment_sum(msg, dst_f, num_segments=n)
    return out + b


def reference(x, edge_index, W1, b1, W2, b2):
    h = _gcn_layer(x, edge_index, W1, b1)
    h = jax.nn.relu(h)
    # dropout is identity in eval mode
    out = _gcn_layer(h, edge_index, W2, b2)
    return out

if __name__ == "__main__":
    import jax
    _d = setup_inputs()
    print(jax.jit(kernel)(*tuple(_d.values())))

</pallas_src>

<mosaic_0001>
#map = affine_map<(d0, d1) -> (0)>
#map1 = affine_map<(d0, d1) -> (0, 0)>
#map2 = affine_map<(d0, d1) -> (0, 0, 0)>
module attributes {stable_mosaic.version = 14 : i64} {
  func.func @_deg_body(%arg0: i32, %arg1: i32, %arg2: memref<320000xi32, #tpu.memory_space<hbm>>, %arg3: memref<80x128xf32, #tpu.memory_space<hbm>>, %arg4: memref<10240x128xf32, #tpu.memory_space<hbm>>, %arg5: memref<2x10240x128xf32, #tpu.memory_space<hbm>>, %arg6: memref<80xi32, #tpu.memory_space<vmem>>, %arg7: memref<80xi32, #tpu.memory_space<vmem>>, %arg8: memref<80x128xf32, #tpu.memory_space<vmem>>, %arg9: memref<!tpu.dma_semaphore, #tpu.memory_space<semaphore_mem>>, %arg10: memref<!tpu.dma_semaphore, #tpu.memory_space<semaphore_mem>>, %arg11: memref<10240x128xf32, #tpu.memory_space<vmem_shared>>) attributes {dimension_semantics = [#tpu.dimension_semantics<core_parallel>, #tpu.dimension_semantics<subcore_parallel>], iteration_bounds = array<i64: 2, 16>, scalar_prefetch = 0 : i64, scratch_operands = 6 : i64, tpu.core_type = #tpu.core_type<sc_vector_subcore>, window_params = [{transform_indices = #map}, {transform_indices = #map1}, {transform_indices = #map1}, {transform_indices = #map2}]} {
    %mul3A = arith.constant 16 : i32
    %mul3A_0 = arith.muli %arg0, %mul3A : i32
    %add3A = arith.addi %mul3A_0, %arg1 : i32
    %mul3A_1 = arith.constant 10000 : i32
    %mul3A_2 = arith.muli %add3A, %mul3A_1 : i32
    %add3A_3 = arith.constant 0 : i32
    %add3A_4 = arith.addi %mul3A_2, %add3A_3 : i32
    %dma_start3A = tpu.memref_slice %arg2[%add3A_4] : memref<320000xi32, #tpu.memory_space<hbm>> -> memref<80xi32, #tpu.memory_space<hbm>>
    %dma_start3A_5 = tpu.memref_slice %arg2[%add3A_4] : memref<320000xi32, #tpu.memory_space<hbm>> -> memref<80xi32, #tpu.memory_space<hbm>>
    tpu.enqueue_dma source(%dma_start3A_5 : memref<80xi32, #tpu.memory_space<hbm>>) target(%arg6 : memref<80xi32, #tpu.memory_space<vmem>>) target_semaphore(%arg9 : memref<!tpu.dma_semaphore, #tpu.memory_space<semaphore_mem>>)
    %add3A_6 = arith.constant 80 : i32
    %add3A_7 = arith.addi %mul3A_2, %add3A_6 : i32
    %dma_start3A_8 = tpu.memref_slice %arg2[%add3A_7] : memref<320000xi32, #tpu.memory_space<hbm>> -> memref<80xi32, #tpu.memory_space<hbm>>
    %dma_start3A_9 = tpu.memref_slice %arg2[%add3A_7] : memref<320000xi32, #tpu.memory_space<hbm>> -> memref<80xi32, #tpu.memory_space<hbm>>
    tpu.enqueue_dma source(%dma_start3A_9 : memref<80xi32, #tpu.memory_space<hbm>>) target(%arg7 : memref<80xi32, #tpu.memory_space<vmem>>) target_semaphore(%arg10 : memref<!tpu.dma_semaphore, #tpu.memory_space<semaphore_mem>>)
    "tpu.region"() ({
      %run_scoped3A = tpu.sem_alloc : memref<!tpu.dma_semaphore, #tpu.memory_space<semaphore_mem>>
      tpu.enqueue_dma source(%arg3 : memref<80x128xf32, #tpu.memory_space<hbm>>) target(%arg8 : memref<80x128xf32, #tpu.memory_space<vmem>>) target_semaphore(%run_scoped3A : memref<!tpu.dma_semaphore, #tpu.memory_space<semaphore_mem>>)
      tpu.wait_dma2 semaphore(%run_scoped3A : memref<!tpu.dma_semaphore, #tpu.memory_space<semaphore_mem>>) src(%arg3 : memref<80x128xf32, #tpu.memory_space<hbm>>) dst(%arg8 : memref<80x128xf32, #tpu.memory_space<vmem>>)
      tpu.yield
    }) : () -> ()
    %mul3A_10 = arith.constant 640 : i32
    %mul3A_11 = arith.muli %arg1, %mul3A_10 : i32
    %mul3A_12 = arith.constant 640 : i32
    %mul3A_13 = arith.muli %arg1, %mul3A_12 : i32
    "tpu.region"() ({
      %run_scoped3A = tpu.sem_alloc : memref<!tpu.dma_semaphore, #tpu.memory_space<semaphore_mem>>
      %dma_start3A_24 = arith.constant 0 : i32
      %dma_start3A_25 = tpu.memref_slice %arg11[%mul3A_13, %dma_start3A_24] : memref<10240x128xf32, #tpu.memory_space<vmem_shared>> -> memref<640x128xf32, #tpu.memory_space<vmem_shared>>
      %dma_start3A_26 = arith.constant 0 : i32
      %dma_start3A_27 = tpu.memref_slice %arg4[%mul3A_11, %dma_start3A_26] : memref<10240x128xf32, #tpu.memory_space<hbm>> -> memref<640x128xf32, #tpu.memory_space<hbm>>
      tpu.enqueue_dma source(%dma_start3A_27 : memref<640x128xf32, #tpu.memory_space<hbm>>) target(%dma_start3A_25 : memref<640x128xf32, #tpu.memory_space<vmem_shared>>) target_semaphore(%run_scoped3A : memref<!tpu.dma_semaphore, #tpu.memory_space<semaphore_mem>>)
      %dma_wait3A = arith.constant 0 : i32
      %dma_wait3A_28 = tpu.memref_slice %arg11[%mul3A_13, %dma_wait3A] : memref<10240x128xf32, #tpu.memory_space<vmem_shared>> -> memref<640x128xf32, #tpu.memory_space<vmem_shared>>
      %dma_wait3A_29 = arith.constant 0 : i32
      %dma_wait3A_30 = tpu.memref_slice %arg4[%mul3A_11, %dma_wait3A_29] : memref<10240x128xf32, #tpu.memory_space<hbm>> -> memref<640x128xf32, #tpu.memory_space<hbm>>
      tpu.wait_dma2 semaphore(%run_scoped3A : memref<!tpu.dma_semaphore, #tpu.memory_space<semaphore_mem>>) src(%dma_wait3A_30 : memref<640x128xf32, #tpu.memory_space<hbm>>) dst(%dma_wait3A_28 : memref<640x128xf32, #tpu.memory_space<vmem_shared>>)
      tpu.yield
    }) : () -> ()
    %barrier3A = arith.constant 0 : index
    tpu.barrier barrier_id(%barrier3A)
    %scan3A = arith.constant 0 : i32
    %scan3A_14 = arith.constant 0 : i32
    %scan3A_15 = arith.constant 63 : i32
    %scan3A_16 = arith.addi %scan3A_14, %scan3A_15 : i32
    %scan3A_17 = arith.constant 1 : i32
    scf.for %scan3A_24 = %scan3A_14 to %scan3A_16 step %scan3A_17  : i32 {
      %mul3A_25 = arith.constant 2 : i32
      %mul3A_26 = arith.muli %scan3A_24, %mul3A_25 : i32
      %dma_wait3A = tpu.memref_slice %arg2[%mul3A_2] : memref<320000xi32, #tpu.memory_space<hbm>> -> memref<80xi32, #tpu.memory_space<hbm>>
      %dma_wait3A_27 = tpu.memref_slice %arg2[%mul3A_2] : memref<320000xi32, #tpu.memory_space<hbm>> -> memref<80xi32, #tpu.memory_space<hbm>>
      tpu.wait_dma2 semaphore(%arg9 : memref<!tpu.dma_semaphore, #tpu.memory_space<semaphore_mem>>) src(%dma_wait3A_27 : memref<80xi32, #tpu.memory_space<hbm>>) dst(%arg6 : memref<80xi32, #tpu.memory_space<vmem>>)
      "tpu.region"() ({
        %run_scoped3A = tpu.sem_alloc : memref<!tpu.dma_semaphore, #tpu.memory_space<semaphore_mem>>
        %dma_start3A_39 = arith.constant 0 : i32
        %dma_start3A_40 = arith.constant 0 : i32
        %dma_start3A_41 = tpu.memref_slice %arg11[%dma_start3A_39, %dma_start3A_40] : memref<10240x128xf32, #tpu.memory_space<vmem_shared>> -> memref<10240x128xf32, #tpu.memory_space<vmem_shared>>
        tpu.enqueue_indirect_dma source(%arg8 : memref<80x128xf32, #tpu.memory_space<vmem>>) target(%dma_start3A_41 : memref<10240x128xf32, #tpu.memory_space<vmem_shared>>) offsets(%arg6 : memref<80xi32, #tpu.memory_space<vmem>>) semaphore(%run_scoped3A : memref<!tpu.dma_semaphore, #tpu.memory_space<semaphore_mem>>) {add = true}
        %dma_wait3A_42 = arith.constant 0 : i32
        %dma_wait3A_43 = arith.constant 0 : i32
        %dma_wait3A_44 = tpu.memref_slice %arg11[%dma_wait3A_42, %dma_wait3A_43] : memref<10240x128xf32, #tpu.memory_space<vmem_shared>> -> memref<10240x128xf32, #tpu.memory_space<vmem_shared>>
        tpu.wait_indirect_dma semaphore(%run_scoped3A : memref<!tpu.dma_semaphore, #tpu.memory_space<semaphore_mem>>) src(%arg8 : memref<80x128xf32, #tpu.memory_space<vmem>>) dst(%dma_wait3A_44 : memref<10240x128xf32, #tpu.memory_space<vmem_shared>>)
        tpu.yield
      }) : () -> ()
      %add3A_28 = arith.constant 2 : i32
      %add3A_29 = arith.addi %mul3A_26, %add3A_28 : i32
      %lt3A = arith.constant 125 : i32
      %lt3A_30 = arith.cmpi slt, %add3A_29, %lt3A : i32
      %convert_element_type3A = arith.extui %lt3A_30 : i1 to i32
      %cond3A = arith.constant 0 : i32
      %cond3A_31 = arith.cmpi ne, %convert_element_type3A, %cond3A : i32
      scf.if %cond3A_31 {
        %add3A_39 = arith.constant 2 : i32
        %add3A_40 = arith.addi %mul3A_26, %add3A_39 : i32
        %mul3A_41 = arith.constant 80 : i32
        %mul3A_42 = arith.muli %add3A_40, %mul3A_41 : i32
        %add3A_43 = arith.addi %mul3A_2, %mul3A_42 : i32
        %dma_start3A_44 = tpu.memref_slice %arg2[%add3A_43] : memref<320000xi32, #tpu.memory_space<hbm>> -> memref<80xi32, #tpu.memory_space<hbm>>
        %dma_start3A_45 = tpu.memref_slice %arg2[%add3A_43] : memref<320000xi32, #tpu.memory_space<hbm>> -> memref<80xi32, #tpu.memory_space<hbm>>
        tpu.enqueue_dma source(%dma_start3A_45 : memref<80xi32, #tpu.memory_space<hbm>>) target(%arg6 : memref<80xi32, #tpu.memory_space<vmem>>) target_semaphore(%arg9 : memref<!tpu.dma_semaphore, #tpu.memory_space<semaphore_mem>>)
      } else {
      }
      %add3A_32 = arith.constant 1 : i32
      %add3A_33 = arith.addi %mul3A_26, %add3A_32 : i32
      %lt3A_34 = arith.constant 125 : i32
      %lt3A_35 = arith.cmpi slt, %add3A_33, %lt3A_34 : i32
      %convert_element_type3A_36 = arith.extui %lt3A_35 : i1 to i32
      %cond3A_37 = arith.constant 0 : i32
      %cond3A_38 = arith.cmpi ne, %convert_element_type3A_36, %cond3A_37 : i32
      scf.if %cond3A_38 {
        %add3A_39 = arith.constant 1 : i32
        %add3A_40 = arith.addi %mul3A_26, %add3A_39 : i32
        %dma_wait3A_41 = tpu.memref_slice %arg2[%mul3A_2] : memref<320000xi32, #tpu.memory_space<hbm>> -> memref<80xi32, #tpu.memory_space<hbm>>
        %dma_wait3A_42 = tpu.memref_slice %arg2[%mul3A_2] : memref<320000xi32, #tpu.memory_space<hbm>> -> memref<80xi32, #tpu.memory_space<hbm>>
        tpu.wait_dma2 semaphore(%arg10 : memref<!tpu.dma_semaphore, #tpu.memory_space<semaphore_mem>>) src(%dma_wait3A_42 : memref<80xi32, #tpu.memory_space<hbm>>) dst(%arg7 : memref<80xi32, #tpu.memory_space<vmem>>)
        "tpu.region"() ({
          %run_scoped3A = tpu.sem_alloc : memref<!tpu.dma_semaphore, #tpu.memory_space<semaphore_mem>>
          %dma_start3A_50 = arith.constant 0 : i32
          %dma_start3A_51 = arith.constant 0 : i32
          %dma_start3A_52 = tpu.memref_slice %arg11[%dma_start3A_50, %dma_start3A_51] : memref<10240x128xf32, #tpu.memory_space<vmem_shared>> -> memref<10240x128xf32, #tpu.memory_space<vmem_shared>>
          tpu.enqueue_indirect_dma source(%arg8 : memref<80x128xf32, #tpu.memory_space<vmem>>) target(%dma_start3A_52 : memref<10240x128xf32, #tpu.memory_space<vmem_shared>>) offsets(%arg7 : memref<80xi32, #tpu.memory_space<vmem>>) semaphore(%run_scoped3A : memref<!tpu.dma_semaphore, #tpu.memory_space<semaphore_mem>>) {add = true}
          %dma_wait3A_53 = arith.constant 0 : i32
          %dma_wait3A_54 = arith.constant 0 : i32
          %dma_wait3A_55 = tpu.memref_slice %arg11[%dma_wait3A_53, %dma_wait3A_54] : memref<10240x128xf32, #tpu.memory_space<vmem_shared>> -> memref<10240x128xf32, #tpu.memory_space<vmem_shared>>
          tpu.wait_indirect_dma semaphore(%run_scoped3A : memref<!tpu.dma_semaphore, #tpu.memory_space<semaphore_mem>>) src(%arg8 : memref<80x128xf32, #tpu.memory_space<vmem>>) dst(%dma_wait3A_55 : memref<10240x128xf32, #tpu.memory_space<vmem_shared>>)
          tpu.yield
        }) : () -> ()
        %add3A_43 = arith.constant 2 : i32
        %add3A_44 = arith.addi %add3A_40, %add3A_43 : i32
        %lt3A_45 = arith.constant 125 : i32
        %lt3A_46 = arith.cmpi slt, %add3A_44, %lt3A_45 : i32
        %convert_element_type3A_47 = arith.extui %lt3A_46 : i1 to i32
        %cond3A_48 = arith.constant 0 : i32
        %cond3A_49 = arith.cmpi ne, %convert_element_type3A_47, %cond3A_48 : i32
        scf.if %cond3A_49 {
          %add3A_50 = arith.constant 2 : i32
          %add3A_51 = arith.addi %add3A_40, %add3A_50 : i32
          %mul3A_52 = arith.constant 80 : i32
          %mul3A_53 = arith.muli %add3A_51, %mul3A_52 : i32
          %add3A_54 = arith.addi %mul3A_2, %mul3A_53 : i32
          %dma_start3A_55 = tpu.memref_slice %arg2[%add3A_54] : memref<320000xi32, #tpu.memory_space<hbm>> -> memref<80xi32, #tpu.memory_space<hbm>>
          %dma_start3A_56 = tpu.memref_slice %arg2[%add3A_54] : memref<320000xi32, #tpu.memory_space<hbm>> -> memref<80xi32, #tpu.memory_space<hbm>>
          tpu.enqueue_dma source(%dma_start3A_56 : memref<80xi32, #tpu.memory_space<hbm>>) target(%arg7 : memref<80xi32, #tpu.memory_space<vmem>>) target_semaphore(%arg10 : memref<!tpu.dma_semaphore, #tpu.memory_space<semaphore_mem>>)
        } else {
        }
      } else {
      }
    }
    %scan3A_18 = arith.constant 63 : i32
    %barrier3A_19 = arith.constant 0 : index
    tpu.barrier barrier_id(%barrier3A_19)
    %mul3A_20 = arith.constant 640 : i32
    %mul3A_21 = arith.muli %arg1, %mul3A_20 : i32
    %mul3A_22 = arith.constant 640 : i32
    %mul3A_23 = arith.muli %arg1, %mul3A_22 : i32
    "tpu.region"() ({
      %run_scoped3A = tpu.sem_alloc : memref<!tpu.dma_semaphore, #tpu.memory_space<semaphore_mem>>
      %dma_start3A_24 = arith.constant 0 : i32
      %dma_start3A_25 = tpu.memref_slice %arg5[%arg0, %mul3A_23, %dma_start3A_24] : memref<2x10240x128xf32, #tpu.memory_space<hbm>> -> memref<1x640x128xf32, #tpu.memory_space<hbm>>
      %dma_start3A_26 = tpu.memref_squeeze %dma_start3A_25 : memref<1x640x128xf32, #tpu.memory_space<hbm>> -> memref<640x128xf32, #tpu.memory_space<hbm>>
      %dma_start3A_27 = arith.constant 0 : i32
      %dma_start3A_28 = tpu.memref_slice %arg11[%mul3A_21, %dma_start3A_27] : memref<10240x128xf32, #tpu.memory_space<vmem_shared>> -> memref<640x128xf32, #tpu.memory_space<vmem_shared>>
      tpu.enqueue_dma source(%dma_start3A_28 : memref<640x128xf32, #tpu.memory_space<vmem_shared>>) target(%dma_start3A_26 : memref<640x128xf32, #tpu.memory_space<hbm>>) target_semaphore(%run_scoped3A : memref<!tpu.dma_semaphore, #tpu.memory_space<semaphore_mem>>)
      %dma_wait3A = arith.constant 0 : i32
      %dma_wait3A_29 = tpu.memref_slice %arg5[%arg0, %mul3A_23, %dma_wait3A] : memref<2x10240x128xf32, #tpu.memory_space<hbm>> -> memref<1x640x128xf32, #tpu.memory_space<hbm>>
      %dma_wait3A_30 = tpu.memref_squeeze %dma_wait3A_29 : memref<1x640x128xf32, #tpu.memory_space<hbm>> -> memref<640x128xf32, #tpu.memory_space<hbm>>
      %dma_wait3A_31 = arith.constant 0 : i32
      %dma_wait3A_32 = tpu.memref_slice %arg11[%mul3A_21, %dma_wait3A_31] : memref<10240x128xf32, #tpu.memory_space<vmem_shared>> -> memref<640x128xf32, #tpu.memory_space<vmem_shared>>
      tpu.wait_dma2 semaphore(%run_scoped3A : memref<!tpu.dma_semaphore, #tpu.memory_space<semaphore_mem>>) src(%dma_wait3A_32 : memref<640x128xf32, #tpu.memory_space<vmem_shared>>) dst(%dma_wait3A_30 : memref<640x128xf32, #tpu.memory_space<hbm>>)
      tpu.yield
    }) : () -> ()
    return
  }
}

#map = affine_map<(d0, d1) -> (0, 0)>
#map1 = affine_map<(d0, d1) -> (0)>
#map2 = affine_map<(d0, d1) -> (0, 0, 0)>
module attributes {stable_mosaic.version = 14 : i64} {
  func.func @_agg_body(%arg0: i32, %arg1: i32, %arg2: memref<10000x128xf32, #tpu.memory_space<hbm>>, %arg3: memref<320000xi32, #tpu.memory_space<hbm>>, %arg4: memref<320000xi32, #tpu.memory_space<hbm>>, %arg5: memref<10240x128xf32, #tpu.memory_space<hbm>>, %arg6: memref<2x10240x128xf32, #tpu.memory_space<hbm>>, %arg7: memref<80xi32, #tpu.memory_space<vmem>>, %arg8: memref<80xi32, #tpu.memory_space<vmem>>, %arg9: memref<80xi32, #tpu.memory_space<vmem>>, %arg10: memref<80xi32, #tpu.memory_space<vmem>>, %arg11: memref<80x128xf32, #tpu.memory_space<vmem>>, %arg12: memref<80x128xf32, #tpu.memory_space<vmem>>, %arg13: memref<!tpu.dma_semaphore, #tpu.memory_space<semaphore_mem>>, %arg14: memref<!tpu.dma_semaphore, #tpu.memory_space<semaphore_mem>>, %arg15: memref<!tpu.dma_semaphore, #tpu.memory_space<semaphore_mem>>, %arg16: memref<!tpu.dma_semaphore, #tpu.memory_space<semaphore_mem>>, %arg17: memref<10240x128xf32, #tpu.memory_space<vmem_shared>>) attributes {dimension_semantics = [#tpu.dimension_semantics<core_parallel>, #tpu.dimension_semantics<subcore_parallel>], iteration_bounds = array<i64: 2, 16>, scalar_prefetch = 0 : i64, scratch_operands = 11 : i64, tpu.core_type = #tpu.core_type<sc_vector_subcore>, window_params = [{transform_indices = #map}, {transform_indices = #map1}, {transform_indices = #map1}, {transform_indices = #map}, {transform_indices = #map2}]} {
    %mul3A = arith.constant 16 : i32
    %mul3A_0 = arith.muli %arg0, %mul3A : i32
    %add3A = arith.addi %mul3A_0, %arg1 : i32
    %mul3A_1 = arith.constant 10000 : i32
    %mul3A_2 = arith.muli %add3A, %mul3A_1 : i32
    %add3A_3 = arith.constant 0 : i32
    %add3A_4 = arith.addi %mul3A_2, %add3A_3 : i32
    %dma_start3A = tpu.memref_slice %arg3[%add3A_4] : memref<320000xi32, #tpu.memory_space<hbm>> -> memref<80xi32, #tpu.memory_space<hbm>>
    %dma_start3A_5 = tpu.memref_slice %arg3[%add3A_4] : memref<320000xi32, #tpu.memory_space<hbm>> -> memref<80xi32, #tpu.memory_space<hbm>>
    tpu.enqueue_dma source(%dma_start3A_5 : memref<80xi32, #tpu.memory_space<hbm>>) target(%arg7 : memref<80xi32, #tpu.memory_space<vmem>>) target_semaphore(%arg13 : memref<!tpu.dma_semaphore, #tpu.memory_space<semaphore_mem>>)
    %add3A_6 = arith.constant 0 : i32
    %add3A_7 = arith.addi %mul3A_2, %add3A_6 : i32
    %dma_start3A_8 = tpu.memref_slice %arg4[%add3A_7] : memref<320000xi32, #tpu.memory_space<hbm>> -> memref<80xi32, #tpu.memory_space<hbm>>
    %dma_start3A_9 = tpu.memref_slice %arg4[%add3A_7] : memref<320000xi32, #tpu.memory_space<hbm>> -> memref<80xi32, #tpu.memory_space<hbm>>
    tpu.enqueue_dma source(%dma_start3A_9 : memref<80xi32, #tpu.memory_space<hbm>>) target(%arg9 : memref<80xi32, #tpu.memory_space<vmem>>) target_semaphore(%arg13 : memref<!tpu.dma_semaphore, #tpu.memory_space<semaphore_mem>>)
    %mul3A_10 = arith.constant 640 : i32
    %mul3A_11 = arith.muli %arg1, %mul3A_10 : i32
    %mul3A_12 = arith.constant 640 : i32
    %mul3A_13 = arith.muli %arg1, %mul3A_12 : i32
    "tpu.region"() ({
      %run_scoped3A = tpu.sem_alloc : memref<!tpu.dma_semaphore, #tpu.memory_space<semaphore_mem>>
      %dma_start3A_38 = arith.constant 0 : i32
      %dma_start3A_39 = tpu.memref_slice %arg17[%mul3A_13, %dma_start3A_38] : memref<10240x128xf32, #tpu.memory_space<vmem_shared>> -> memref<640x128xf32, #tpu.memory_space<vmem_shared>>
      %dma_start3A_40 = arith.constant 0 : i32
      %dma_start3A_41 = tpu.memref_slice %arg5[%mul3A_11, %dma_start3A_40] : memref<10240x128xf32, #tpu.memory_space<hbm>> -> memref<640x128xf32, #tpu.memory_space<hbm>>
      tpu.enqueue_dma source(%dma_start3A_41 : memref<640x128xf32, #tpu.memory_space<hbm>>) target(%dma_start3A_39 : memref<640x128xf32, #tpu.memory_space<vmem_shared>>) target_semaphore(%run_scoped3A : memref<!tpu.dma_semaphore, #tpu.memory_space<semaphore_mem>>)
      %dma_wait3A_42 = arith.constant 0 : i32
      %dma_wait3A_43 = tpu.memref_slice %arg17[%mul3A_13, %dma_wait3A_42] : memref<10240x128xf32, #tpu.memory_space<vmem_shared>> -> memref<640x128xf32, #tpu.memory_space<vmem_shared>>
      %dma_wait3A_44 = arith.constant 0 : i32
      %dma_wait3A_45 = tpu.memref_slice %arg5[%mul3A_11, %dma_wait3A_44] : memref<10240x128xf32, #tpu.memory_space<hbm>> -> memref<640x128xf32, #tpu.memory_space<hbm>>
      tpu.wait_dma2 semaphore(%run_scoped3A : memref<!tpu.dma_semaphore, #tpu.memory_space<semaphore_mem>>) src(%dma_wait3A_45 : memref<640x128xf32, #tpu.memory_space<hbm>>) dst(%dma_wait3A_43 : memref<640x128xf32, #tpu.memory_space<vmem_shared>>)
      tpu.yield
    }) : () -> ()
    %dma_wait3A = tpu.memref_slice %arg3[%mul3A_2] : memref<320000xi32, #tpu.memory_space<hbm>> -> memref<80xi32, #tpu.memory_space<hbm>>
    %dma_wait3A_14 = tpu.memref_slice %arg3[%mul3A_2] : memref<320000xi32, #tpu.memory_space<hbm>> -> memref<80xi32, #tpu.memory_space<hbm>>
    tpu.wait_dma2 semaphore(%arg13 : memref<!tpu.dma_semaphore, #tpu.memory_space<semaphore_mem>>) src(%dma_wait3A_14 : memref<80xi32, #tpu.memory_space<hbm>>) dst(%arg7 : memref<80xi32, #tpu.memory_space<vmem>>)
    %dma_wait3A_15 = tpu.memref_slice %arg4[%mul3A_2] : memref<320000xi32, #tpu.memory_space<hbm>> -> memref<80xi32, #tpu.memory_space<hbm>>
    %dma_wait3A_16 = tpu.memref_slice %arg4[%mul3A_2] : memref<320000xi32, #tpu.memory_space<hbm>> -> memref<80xi32, #tpu.memory_space<hbm>>
    tpu.wait_dma2 semaphore(%arg13 : memref<!tpu.dma_semaphore, #tpu.memory_space<semaphore_mem>>) src(%dma_wait3A_16 : memref<80xi32, #tpu.memory_space<hbm>>) dst(%arg9 : memref<80xi32, #tpu.memory_space<vmem>>)
    %barrier3A = arith.constant 0 : index
    tpu.barrier barrier_id(%barrier3A)
    %dma_start3A_17 = arith.constant 0 : i32
    %dma_start3A_18 = arith.constant 0 : i32
    %dma_start3A_19 = tpu.memref_slice %arg2[%dma_start3A_17, %dma_start3A_18] : memref<10000x128xf32, #tpu.memory_space<hbm>> -> memref<10000x128xf32, #tpu.memory_space<hbm>>
    tpu.enqueue_indirect_dma source(%dma_start3A_19 : memref<10000x128xf32, #tpu.memory_space<hbm>>) target(%arg11 : memref<80x128xf32, #tpu.memory_space<vmem>>) offsets(%arg7 : memref<80xi32, #tpu.memory_space<vmem>>) semaphore(%arg15 : memref<!tpu.dma_semaphore, #tpu.memory_space<semaphore_mem>>)
    %add3A_20 = arith.constant 80 : i32
    %add3A_21 = arith.addi %mul3A_2, %add3A_20 : i32
    %dma_start3A_22 = tpu.memref_slice %arg3[%add3A_21] : memref<320000xi32, #tpu.memory_space<hbm>> -> memref<80xi32, #tpu.memory_space<hbm>>
    %dma_start3A_23 = tpu.memref_slice %arg3[%add3A_21] : memref<320000xi32, #tpu.memory_space<hbm>> -> memref<80xi32, #tpu.memory_space<hbm>>
    tpu.enqueue_dma source(%dma_start3A_23 : memref<80xi32, #tpu.memory_space<hbm>>) target(%arg8 : memref<80xi32, #tpu.memory_space<vmem>>) target_semaphore(%arg14 : memref<!tpu.dma_semaphore, #tpu.memory_space<semaphore_mem>>)
    %add3A_24 = arith.constant 80 : i32
    %add3A_25 = arith.addi %mul3A_2, %add3A_24 : i32
    %dma_start3A_26 = tpu.memref_slice %arg4[%add3A_25] : memref<320000xi32, #tpu.memory_space<hbm>> -> memref<80xi32, #tpu.memory_space<hbm>>
    %dma_start3A_27 = tpu.memref_slice %arg4[%add3A_25] : memref<320000xi32, #tpu.memory_space<hbm>> -> memref<80xi32, #tpu.memory_space<hbm>>
    tpu.enqueue_dma source(%dma_start3A_27 : memref<80xi32, #tpu.memory_space<hbm>>) target(%arg10 : memref<80xi32, #tpu.memory_space<vmem>>) target_semaphore(%arg14 : memref<!tpu.dma_semaphore, #tpu.memory_space<semaphore_mem>>)
    %scan3A = arith.constant 0 : i32
    %scan3A_28 = arith.constant 0 : i32
    %scan3A_29 = arith.constant 63 : i32
    %scan3A_30 = arith.addi %scan3A_28, %scan3A_29 : i32
    %scan3A_31 = arith.constant 1 : i32
    scf.for %scan3A_38 = %scan3A_28 to %scan3A_30 step %scan3A_31  : i32 {
      %mul3A_39 = arith.constant 2 : i32
      %mul3A_40 = arith.muli %scan3A_38, %mul3A_39 : i32
      %dma_wait3A_41 = arith.constant 0 : i32
      %dma_wait3A_42 = arith.constant 0 : i32
      %dma_wait3A_43 = tpu.memref_slice %arg2[%dma_wait3A_41, %dma_wait3A_42] : memref<10000x128xf32, #tpu.memory_space<hbm>> -> memref<10000x128xf32, #tpu.memory_space<hbm>>
      tpu.wait_indirect_dma semaphore(%arg15 : memref<!tpu.dma_semaphore, #tpu.memory_space<semaphore_mem>>) src(%dma_wait3A_43 : memref<10000x128xf32, #tpu.memory_space<hbm>>) dst(%arg11 : memref<80x128xf32, #tpu.memory_space<vmem>>)
      %add3A_44 = arith.constant 1 : i32
      %add3A_45 = arith.addi %mul3A_40, %add3A_44 : i32
      %lt3A = arith.constant 125 : i32
      %lt3A_46 = arith.cmpi slt, %add3A_45, %lt3A : i32
      %convert_element_type3A = arith.extui %lt3A_46 : i1 to i32
      %cond3A = arith.constant 0 : i32
      %cond3A_47 = arith.cmpi ne, %convert_element_type3A, %cond3A : i32
      scf.if %cond3A_47 {
        %dma_wait3A_62 = tpu.memref_slice %arg3[%mul3A_2] : memref<320000xi32, #tpu.memory_space<hbm>> -> memref<80xi32, #tpu.memory_space<hbm>>
        %dma_wait3A_63 = tpu.memref_slice %arg3[%mul3A_2] : memref<320000xi32, #tpu.memory_space<hbm>> -> memref<80xi32, #tpu.memory_space<hbm>>
        tpu.wait_dma2 semaphore(%arg14 : memref<!tpu.dma_semaphore, #tpu.memory_space<semaphore_mem>>) src(%dma_wait3A_63 : memref<80xi32, #tpu.memory_space<hbm>>) dst(%arg8 : memref<80xi32, #tpu.memory_space<vmem>>)
        %dma_wait3A_64 = tpu.memref_slice %arg4[%mul3A_2] : memref<320000xi32, #tpu.memory_space<hbm>> -> memref<80xi32, #tpu.memory_space<hbm>>
        %dma_wait3A_65 = tpu.memref_slice %arg4[%mul3A_2] : memref<320000xi32, #tpu.memory_space<hbm>> -> memref<80xi32, #tpu.memory_space<hbm>>
        tpu.wait_dma2 semaphore(%arg14 : memref<!tpu.dma_semaphore, #tpu.memory_space<semaphore_mem>>) src(%dma_wait3A_65 : memref<80xi32, #tpu.memory_space<hbm>>) dst(%arg10 : memref<80xi32, #tpu.memory_space<vmem>>)
        %dma_start3A_66 = arith.constant 0 : i32
        %dma_start3A_67 = arith.constant 0 : i32
        %dma_start3A_68 = tpu.memref_slice %arg2[%dma_start3A_66, %dma_start3A_67] : memref<10000x128xf32, #tpu.memory_space<hbm>> -> memref<10000x128xf32, #tpu.memory_space<hbm>>
        tpu.enqueue_indirect_dma source(%dma_start3A_68 : memref<10000x128xf32, #tpu.memory_space<hbm>>) target(%arg12 : memref<80x128xf32, #tpu.memory_space<vmem>>) offsets(%arg8 : memref<80xi32, #tpu.memory_space<vmem>>) semaphore(%arg16 : memref<!tpu.dma_semaphore, #tpu.memory_space<semaphore_mem>>)
      } else {
      }
      "tpu.region"() ({
        %run_scoped3A = tpu.sem_alloc : memref<!tpu.dma_semaphore, #tpu.memory_space<semaphore_mem>>
        %dma_start3A_62 = arith.constant 0 : i32
        %dma_start3A_63 = arith.constant 0 : i32
        %dma_start3A_64 = tpu.memref_slice %arg17[%dma_start3A_62, %dma_start3A_63] : memref<10240x128xf32, #tpu.memory_space<vmem_shared>> -> memref<10240x128xf32, #tpu.memory_space<vmem_shared>>
        tpu.enqueue_indirect_dma source(%arg11 : memref<80x128xf32, #tpu.memory_space<vmem>>) target(%dma_start3A_64 : memref<10240x128xf32, #tpu.memory_space<vmem_shared>>) offsets(%arg9 : memref<80xi32, #tpu.memory_space<vmem>>) semaphore(%run_scoped3A : memref<!tpu.dma_semaphore, #tpu.memory_space<semaphore_mem>>) {add = true}
        %dma_wait3A_65 = arith.constant 0 : i32
        %dma_wait3A_66 = arith.constant 0 : i32
        %dma_wait3A_67 = tpu.memref_slice %arg17[%dma_wait3A_65, %dma_wait3A_66] : memref<10240x128xf32, #tpu.memory_space<vmem_shared>> -> memref<10240x128xf32, #tpu.memory_space<vmem_shared>>
        tpu.wait_indirect_dma semaphore(%run_scoped3A : memref<!tpu.dma_semaphore, #tpu.memory_space<semaphore_mem>>) src(%arg11 : memref<80x128xf32, #tpu.memory_space<vmem>>) dst(%dma_wait3A_67 : memref<10240x128xf32, #tpu.memory_space<vmem_shared>>)
        tpu.yield
      }) : () -> ()
      %add3A_48 = arith.constant 2 : i32
      %add3A_49 = arith.addi %mul3A_40, %add3A_48 : i32
      %lt3A_50 = arith.constant 125 : i32
      %lt3A_51 = arith.cmpi slt, %add3A_49, %lt3A_50 : i32
      %convert_element_type3A_52 = arith.extui %lt3A_51 : i1 to i32
      %cond3A_53 = arith.constant 0 : i32
      %cond3A_54 = arith.cmpi ne, %convert_element_type3A_52, %cond3A_53 : i32
      scf.if %cond3A_54 {
        %add3A_62 = arith.constant 2 : i32
        %add3A_63 = arith.addi %mul3A_40, %add3A_62 : i32
        %mul3A_64 = arith.constant 80 : i32
        %mul3A_65 = arith.muli %add3A_63, %mul3A_64 : i32
        %add3A_66 = arith.addi %mul3A_2, %mul3A_65 : i32
        %dma_start3A_67 = tpu.memref_slice %arg3[%add3A_66] : memref<320000xi32, #tpu.memory_space<hbm>> -> memref<80xi32, #tpu.memory_space<hbm>>
        %dma_start3A_68 = tpu.memref_slice %arg3[%add3A_66] : memref<320000xi32, #tpu.memory_space<hbm>> -> memref<80xi32, #tpu.memory_space<hbm>>
        tpu.enqueue_dma source(%dma_start3A_68 : memref<80xi32, #tpu.memory_space<hbm>>) target(%arg7 : memref<80xi32, #tpu.memory_space<vmem>>) target_semaphore(%arg13 : memref<!tpu.dma_semaphore, #tpu.memory_space<semaphore_mem>>)
        %mul3A_69 = arith.constant 80 : i32
        %mul3A_70 = arith.muli %add3A_63, %mul3A_69 : i32
        %add3A_71 = arith.addi %mul3A_2, %mul3A_70 : i32
        %dma_start3A_72 = tpu.memref_slice %arg4[%add3A_71] : memref<320000xi32, #tpu.memory_space<hbm>> -> memref<80xi32, #tpu.memory_space<hbm>>
        %dma_start3A_73 = tpu.memref_slice %arg4[%add3A_71] : memref<320000xi32, #tpu.memory_space<hbm>> -> memref<80xi32, #tpu.memory_space<hbm>>
        tpu.enqueue_dma source(%dma_start3A_73 : memref<80xi32, #tpu.memory_space<hbm>>) target(%arg9 : memref<80xi32, #tpu.memory_space<vmem>>) target_semaphore(%arg13 : memref<!tpu.dma_semaphore, #tpu.memory_space<semaphore_mem>>)
      } else {
      }
      %add3A_55 = arith.constant 1 : i32
      %add3A_56 = arith.addi %mul3A_40, %add3A_55 : i32
      %lt3A_57 = arith.constant 125 : i32
      %lt3A_58 = arith.cmpi slt, %add3A_56, %lt3A_57 : i32
      %convert_element_type3A_59 = arith.extui %lt3A_58 : i1 to i32
      %cond3A_60 = arith.constant 0 : i32
      %cond3A_61 = arith.cmpi ne, %convert_element_type3A_59, %cond3A_60 : i32
      scf.if %cond3A_61 {
        %add3A_62 = arith.constant 1 : i32
        %add3A_63 = arith.addi %mul3A_40, %add3A_62 : i32
        %dma_wait3A_64 = arith.constant 0 : i32
        %dma_wait3A_65 = arith.constant 0 : i32
        %dma_wait3A_66 = tpu.memref_slice %arg2[%dma_wait3A_64, %dma_wait3A_65] : memref<10000x128xf32, #tpu.memory_space<hbm>> -> memref<10000x128xf32, #tpu.memory_space<hbm>>
        tpu.wait_indirect_dma semaphore(%arg16 : memref<!tpu.dma_semaphore, #tpu.memory_space<semaphore_mem>>) src(%dma_wait3A_66 : memref<10000x128xf32, #tpu.memory_space<hbm>>) dst(%arg12 : memref<80x128xf32, #tpu.memory_space<vmem>>)
        %add3A_67 = arith.constant 1 : i32
        %add3A_68 = arith.addi %add3A_63, %add3A_67 : i32
        %lt3A_69 = arith.constant 125 : i32
        %lt3A_70 = arith.cmpi slt, %add3A_68, %lt3A_69 : i32
        %convert_element_type3A_71 = arith.extui %lt3A_70 : i1 to i32
        %cond3A_72 = arith.constant 0 : i32
        %cond3A_73 = arith.cmpi ne, %convert_element_type3A_71, %cond3A_72 : i32
        scf.if %cond3A_73 {
          %dma_wait3A_81 = tpu.memref_slice %arg3[%mul3A_2] : memref<320000xi32, #tpu.memory_space<hbm>> -> memref<80xi32, #tpu.memory_space<hbm>>
          %dma_wait3A_82 = tpu.memref_slice %arg3[%mul3A_2] : memref<320000xi32, #tpu.memory_space<hbm>> -> memref<80xi32, #tpu.memory_space<hbm>>
          tpu.wait_dma2 semaphore(%arg13 : memref<!tpu.dma_semaphore, #tpu.memory_space<semaphore_mem>>) src(%dma_wait3A_82 : memref<80xi32, #tpu.memory_space<hbm>>) dst(%arg7 : memref<80xi32, #tpu.memory_space<vmem>>)
          %dma_wait3A_83 = tpu.memref_slice %arg4[%mul3A_2] : memref<320000xi32, #tpu.memory_space<hbm>> -> memref<80xi32, #tpu.memory_space<hbm>>
          %dma_wait3A_84 = tpu.memref_slice %arg4[%mul3A_2] : memref<320000xi32, #tpu.memory_space<hbm>> -> memref<80xi32, #tpu.memory_space<hbm>>
          tpu.wait_dma2 semaphore(%arg13 : memref<!tpu.dma_semaphore, #tpu.memory_space<semaphore_mem>>) src(%dma_wait3A_84 : memref<80xi32, #tpu.memory_space<hbm>>) dst(%arg9 : memref<80xi32, #tpu.memory_space<vmem>>)
          %dma_start3A_85 = arith.constant 0 : i32
          %dma_start3A_86 = arith.constant 0 : i32
          %dma_start3A_87 = tpu.memref_slice %arg2[%dma_start3A_85, %dma_start3A_86] : memref<10000x128xf32, #tpu.memory_space<hbm>> -> memref<10000x128xf32, #tpu.memory_space<hbm>>
          tpu.enqueue_indirect_dma source(%dma_start3A_87 : memref<10000x128xf32, #tpu.memory_space<hbm>>) target(%arg11 : memref<80x128xf32, #tpu.memory_space<vmem>>) offsets(%arg7 : memref<80xi32, #tpu.memory_space<vmem>>) semaphore(%arg15 : memref<!tpu.dma_semaphore, #tpu.memory_space<semaphore_mem>>)
        } else {
        }
        "tpu.region"() ({
          %run_scoped3A = tpu.sem_alloc : memref<!tpu.dma_semaphore, #tpu.memory_space<semaphore_mem>>
          %dma_start3A_81 = arith.constant 0 : i32
          %dma_start3A_82 = arith.constant 0 : i32
          %dma_start3A_83 = tpu.memref_slice %arg17[%dma_start3A_81, %dma_start3A_82] : memref<10240x128xf32, #tpu.memory_space<vmem_shared>> -> memref<10240x128xf32, #tpu.memory_space<vmem_shared>>
          tpu.enqueue_indirect_dma source(%arg12 : memref<80x128xf32, #tpu.memory_space<vmem>>) target(%dma_start3A_83 : memref<10240x128xf32, #tpu.memory_space<vmem_shared>>) offsets(%arg10 : memref<80xi32, #tpu.memory_space<vmem>>) semaphore(%run_scoped3A : memref<!tpu.dma_semaphore, #tpu.memory_space<semaphore_mem>>) {add = true}
          %dma_wait3A_84 = arith.constant 0 : i32
          %dma_wait3A_85 = arith.constant 0 : i32
          %dma_wait3A_86 = tpu.memref_slice %arg17[%dma_wait3A_84, %dma_wait3A_85] : memref<10240x128xf32, #tpu.memory_space<vmem_shared>> -> memref<10240x128xf32, #tpu.memory_space<vmem_shared>>
          tpu.wait_indirect_dma semaphore(%run_scoped3A : memref<!tpu.dma_semaphore, #tpu.memory_space<semaphore_mem>>) src(%arg12 : memref<80x128xf32, #tpu.memory_space<vmem>>) dst(%dma_wait3A_86 : memref<10240x128xf32, #tpu.memory_space<vmem_shared>>)
          tpu.yield
        }) : () -> ()
        %add3A_74 = arith.constant 2 : i32
        %add3A_75 = arith.addi %add3A_63, %add3A_74 : i32
        %lt3A_76 = arith.constant 125 : i32
        %lt3A_77 = arith.cmpi slt, %add3A_75, %lt3A_76 : i32
        %convert_element_type3A_78 = arith.extui %lt3A_77 : i1 to i32
        %cond3A_79 = arith.constant 0 : i32
        %cond3A_80 = arith.cmpi ne, %convert_element_type3A_78, %cond3A_79 : i32
        scf.if %cond3A_80 {
          %add3A_81 = arith.constant 2 : i32
          %add3A_82 = arith.addi %add3A_63, %add3A_81 : i32
          %mul3A_83 = arith.constant 80 : i32
          %mul3A_84 = arith.muli %add3A_82, %mul3A_83 : i32
          %add3A_85 = arith.addi %mul3A_2, %mul3A_84 : i32
          %dma_start3A_86 = tpu.memref_slice %arg3[%add3A_85] : memref<320000xi32, #tpu.memory_space<hbm>> -> memref<80xi32, #tpu.memory_space<hbm>>
          %dma_start3A_87 = tpu.memref_slice %arg3[%add3A_85] : memref<320000xi32, #tpu.memory_space<hbm>> -> memref<80xi32, #tpu.memory_space<hbm>>
          tpu.enqueue_dma source(%dma_start3A_87 : memref<80xi32, #tpu.memory_space<hbm>>) target(%arg8 : memref<80xi32, #tpu.memory_space<vmem>>) target_semaphore(%arg14 : memref<!tpu.dma_semaphore, #tpu.memory_space<semaphore_mem>>)
          %mul3A_88 = arith.constant 80 : i32
          %mul3A_89 = arith.muli %add3A_82, %mul3A_88 : i32
          %add3A_90 = arith.addi %mul3A_2, %mul3A_89 : i32
          %dma_start3A_91 = tpu.memref_slice %arg4[%add3A_90] : memref<320000xi32, #tpu.memory_space<hbm>> -> memref<80xi32, #tpu.memory_space<hbm>>
          %dma_start3A_92 = tpu.memref_slice %arg4[%add3A_90] : memref<320000xi32, #tpu.memory_space<hbm>> -> memref<80xi32, #tpu.memory_space<hbm>>
          tpu.enqueue_dma source(%dma_start3A_92 : memref<80xi32, #tpu.memory_space<hbm>>) target(%arg10 : memref<80xi32, #tpu.memory_space<vmem>>) target_semaphore(%arg14 : memref<!tpu.dma_semaphore, #tpu.memory_space<semaphore_mem>>)
        } else {
        }
      } else {
      }
    }
    %scan3A_32 = arith.constant 63 : i32
    %barrier3A_33 = arith.constant 0 : index
    tpu.barrier barrier_id(%barrier3A_33)
    %mul3A_34 = arith.constant 640 : i32
    %mul3A_35 = arith.muli %arg1, %mul3A_34 : i32
    %mul3A_36 = arith.constant 640 : i32
    %mul3A_37 = arith.muli %arg1, %mul3A_36 : i32
    "tpu.region"() ({
      %run_scoped3A = tpu.sem_alloc : memref<!tpu.dma_semaphore, #tpu.memory_space<semaphore_mem>>
      %dma_start3A_38 = arith.constant 0 : i32
      %dma_start3A_39 = tpu.memref_slice %arg6[%arg0, %mul3A_37, %dma_start3A_38] : memref<2x10240x128xf32, #tpu.memory_space<hbm>> -> memref<1x640x128xf32, #tpu.memory_space<hbm>>
      %dma_start3A_40 = tpu.memref_squeeze %dma_start3A_39 : memref<1x640x128xf32, #tpu.memory_space<hbm>> -> memref<640x128xf32, #tpu.memory_space<hbm>>
      %dma_start3A_41 = arith.constant 0 : i32
      %dma_start3A_42 = tpu.memref_slice %arg17[%mul3A_35, %dma_start3A_41] : memref<10240x128xf32, #tpu.memory_space<vmem_shared>> -> memref<640x128xf32, #tpu.memory_space<vmem_shared>>
      tpu.enqueue_dma source(%dma_start3A_42 : memref<640x128xf32, #tpu.memory_space<vmem_shared>>) target(%dma_start3A_40 : memref<640x128xf32, #tpu.memory_space<hbm>>) target_semaphore(%run_scoped3A : memref<!tpu.dma_semaphore, #tpu.memory_space<semaphore_mem>>)
      %dma_wait3A_43 = arith.constant 0 : i32
      %dma_wait3A_44 = tpu.memref_slice %arg6[%arg0, %mul3A_37, %dma_wait3A_43] : memref<2x10240x128xf32, #tpu.memory_space<hbm>> -> memref<1x640x128xf32, #tpu.memory_space<hbm>>
      %dma_wait3A_45 = tpu.memref_squeeze %dma_wait3A_44 : memref<1x640x128xf32, #tpu.memory_space<hbm>> -> memref<640x128xf32, #tpu.memory_space<hbm>>
      %dma_wait3A_46 = arith.constant 0 : i32
      %dma_wait3A_47 = tpu.memref_slice %arg17[%mul3A_35, %dma_wait3A_46] : memref<10240x128xf32, #tpu.memory_space<vmem_shared>> -> memref<640x128xf32, #tpu.memory_space<vmem_shared>>
      tpu.wait_dma2 semaphore(%run_scoped3A : memref<!tpu.dma_semaphore, #tpu.memory_space<semaphore_mem>>) src(%dma_wait3A_47 : memref<640x128xf32, #tpu.memory_space<vmem_shared>>) dst(%dma_wait3A_45 : memref<640x128xf32, #tpu.memory_space<hbm>>)
      tpu.yield
    }) : () -> ()
    return
  }
}

#map = affine_map<(d0, d1) -> (0, 0)>
#map1 = affine_map<(d0, d1) -> (0)>
#map2 = affine_map<(d0, d1) -> (0, 0, 0)>
module attributes {stable_mosaic.version = 14 : i64} {
  func.func @_agg_body(%arg0: i32, %arg1: i32, %arg2: memref<10000x128xf32, #tpu.memory_space<hbm>>, %arg3: memref<320000xi32, #tpu.memory_space<hbm>>, %arg4: memref<320000xi32, #tpu.memory_space<hbm>>, %arg5: memref<10240x128xf32, #tpu.memory_space<hbm>>, %arg6: memref<2x10240x128xf32, #tpu.memory_space<hbm>>, %arg7: memref<80xi32, #tpu.memory_space<vmem>>, %arg8: memref<80xi32, #tpu.memory_space<vmem>>, %arg9: memref<80xi32, #tpu.memory_space<vmem>>, %arg10: memref<80xi32, #tpu.memory_space<vmem>>, %arg11: memref<80x128xf32, #tpu.memory_space<vmem>>, %arg12: memref<80x128xf32, #tpu.memory_space<vmem>>, %arg13: memref<!tpu.dma_semaphore, #tpu.memory_space<semaphore_mem>>, %arg14: memref<!tpu.dma_semaphore, #tpu.memory_space<semaphore_mem>>, %arg15: memref<!tpu.dma_semaphore, #tpu.memory_space<semaphore_mem>>, %arg16: memref<!tpu.dma_semaphore, #tpu.memory_space<semaphore_mem>>, %arg17: memref<10240x128xf32, #tpu.memory_space<vmem_shared>>) attributes {dimension_semantics = [#tpu.dimension_semantics<core_parallel>, #tpu.dimension_semantics<subcore_parallel>], iteration_bounds = array<i64: 2, 16>, scalar_prefetch = 0 : i64, scratch_operands = 11 : i64, tpu.core_type = #tpu.core_type<sc_vector_subcore>, window_params = [{transform_indices = #map}, {transform_indices = #map1}, {transform_indices = #map1}, {transform_indices = #map}, {transform_indices = #map2}]} {
    %mul3A = arith.constant 16 : i32
    %mul3A_0 = arith.muli %arg0, %mul3A : i32
    %add3A = arith.addi %mul3A_0, %arg1 : i32
    %mul3A_1 = arith.constant 10000 : i32
    %mul3A_2 = arith.muli %add3A, %mul3A_1 : i32
    %add3A_3 = arith.constant 0 : i32
    %add3A_4 = arith.addi %mul3A_2, %add3A_3 : i32
    %dma_start3A = tpu.memref_slice %arg3[%add3A_4] : memref<320000xi32, #tpu.memory_space<hbm>> -> memref<80xi32, #tpu.memory_space<hbm>>
    %dma_start3A_5 = tpu.memref_slice %arg3[%add3A_4] : memref<320000xi32, #tpu.memory_space<hbm>> -> memref<80xi32, #tpu.memory_space<hbm>>
    tpu.enqueue_dma source(%dma_start3A_5 : memref<80xi32, #tpu.memory_space<hbm>>) target(%arg7 : memref<80xi32, #tpu.memory_space<vmem>>) target_semaphore(%arg13 : memref<!tpu.dma_semaphore, #tpu.memory_space<semaphore_mem>>)
    %add3A_6 = arith.constant 0 : i32
    %add3A_7 = arith.addi %mul3A_2, %add3A_6 : i32
    %dma_start3A_8 = tpu.memref_slice %arg4[%add3A_7] : memref<320000xi32, #tpu.memory_space<hbm>> -> memref<80xi32, #tpu.memory_space<hbm>>
    %dma_start3A_9 = tpu.memref_slice %arg4[%add3A_7] : memref<320000xi32, #tpu.memory_space<hbm>> -> memref<80xi32, #tpu.memory_space<hbm>>
    tpu.enqueue_dma source(%dma_start3A_9 : memref<80xi32, #tpu.memory_space<hbm>>) target(%arg9 : memref<80xi32, #tpu.memory_space<vmem>>) target_semaphore(%arg13 : memref<!tpu.dma_semaphore, #tpu.memory_space<semaphore_mem>>)
    %mul3A_10 = arith.constant 640 : i32
    %mul3A_11 = arith.muli %arg1, %mul3A_10 : i32
    %mul3A_12 = arith.constant 640 : i32
    %mul3A_13 = arith.muli %arg1, %mul3A_12 : i32
    "tpu.region"() ({
      %run_scoped3A = tpu.sem_alloc : memref<!tpu.dma_semaphore, #tpu.memory_space<semaphore_mem>>
      %dma_start3A_38 = arith.constant 0 : i32
      %dma_start3A_39 = tpu.memref_slice %arg17[%mul3A_13, %dma_start3A_38] : memref<10240x128xf32, #tpu.memory_space<vmem_shared>> -> memref<640x128xf32, #tpu.memory_space<vmem_shared>>
      %dma_start3A_40 = arith.constant 0 : i32
      %dma_start3A_41 = tpu.memref_slice %arg5[%mul3A_11, %dma_start3A_40] : memref<10240x128xf32, #tpu.memory_space<hbm>> -> memref<640x128xf32, #tpu.memory_space<hbm>>
      tpu.enqueue_dma source(%dma_start3A_41 : memref<640x128xf32, #tpu.memory_space<hbm>>) target(%dma_start3A_39 : memref<640x128xf32, #tpu.memory_space<vmem_shared>>) target_semaphore(%run_scoped3A : memref<!tpu.dma_semaphore, #tpu.memory_space<semaphore_mem>>)
      %dma_wait3A_42 = arith.constant 0 : i32
      %dma_wait3A_43 = tpu.memref_slice %arg17[%mul3A_13, %dma_wait3A_42] : memref<10240x128xf32, #tpu.memory_space<vmem_shared>> -> memref<640x128xf32, #tpu.memory_space<vmem_shared>>
      %dma_wait3A_44 = arith.constant 0 : i32
      %dma_wait3A_45 = tpu.memref_slice %arg5[%mul3A_11, %dma_wait3A_44] : memref<10240x128xf32, #tpu.memory_space<hbm>> -> memref<640x128xf32, #tpu.memory_space<hbm>>
      tpu.wait_dma2 semaphore(%run_scoped3A : memref<!tpu.dma_semaphore, #tpu.memory_space<semaphore_mem>>) src(%dma_wait3A_45 : memref<640x128xf32, #tpu.memory_space<hbm>>) dst(%dma_wait3A_43 : memref<640x128xf32, #tpu.memory_space<vmem_shared>>)
      tpu.yield
    }) : () -> ()
    %dma_wait3A = tpu.memref_slice %arg3[%mul3A_2] : memref<320000xi32, #tpu.memory_space<hbm>> -> memref<80xi32, #tpu.memory_space<hbm>>
    %dma_wait3A_14 = tpu.memref_slice %arg3[%mul3A_2] : memref<320000xi32, #tpu.memory_space<hbm>> -> memref<80xi32, #tpu.memory_space<hbm>>
    tpu.wait_dma2 semaphore(%arg13 : memref<!tpu.dma_semaphore, #tpu.memory_space<semaphore_mem>>) src(%dma_wait3A_14 : memref<80xi32, #tpu.memory_space<hbm>>) dst(%arg7 : memref<80xi32, #tpu.memory_space<vmem>>)
    %dma_wait3A_15 = tpu.memref_slice %arg4[%mul3A_2] : memref<320000xi32, #tpu.memory_space<hbm>> -> memref<80xi32, #tpu.memory_space<hbm>>
    %dma_wait3A_16 = tpu.memref_slice %arg4[%mul3A_2] : memref<320000xi32, #tpu.memory_space<hbm>> -> memref<80xi32, #tpu.memory_space<hbm>>
    tpu.wait_dma2 semaphore(%arg13 : memref<!tpu.dma_semaphore, #tpu.memory_space<semaphore_mem>>) src(%dma_wait3A_16 : memref<80xi32, #tpu.memory_space<hbm>>) dst(%arg9 : memref<80xi32, #tpu.memory_space<vmem>>)
    %barrier3A = arith.constant 0 : index
    tpu.barrier barrier_id(%barrier3A)
    %dma_start3A_17 = arith.constant 0 : i32
    %dma_start3A_18 = arith.constant 0 : i32
    %dma_start3A_19 = tpu.memref_slice %arg2[%dma_start3A_17, %dma_start3A_18] : memref<10000x128xf32, #tpu.memory_space<hbm>> -> memref<10000x128xf32, #tpu.memory_space<hbm>>
    tpu.enqueue_indirect_dma source(%dma_start3A_19 : memref<10000x128xf32, #tpu.memory_space<hbm>>) target(%arg11 : memref<80x128xf32, #tpu.memory_space<vmem>>) offsets(%arg7 : memref<80xi32, #tpu.memory_space<vmem>>) semaphore(%arg15 : memref<!tpu.dma_semaphore, #tpu.memory_space<semaphore_mem>>)
    %add3A_20 = arith.constant 80 : i32
    %add3A_21 = arith.addi %mul3A_2, %add3A_20 : i32
    %dma_start3A_22 = tpu.memref_slice %arg3[%add3A_21] : memref<320000xi32, #tpu.memory_space<hbm>> -> memref<80xi32, #tpu.memory_space<hbm>>
    %dma_start3A_23 = tpu.memref_slice %arg3[%add3A_21] : memref<320000xi32, #tpu.memory_space<hbm>> -> memref<80xi32, #tpu.memory_space<hbm>>
    tpu.enqueue_dma source(%dma_start3A_23 : memref<80xi32, #tpu.memory_space<hbm>>) target(%arg8 : memref<80xi32, #tpu.memory_space<vmem>>) target_semaphore(%arg14 : memref<!tpu.dma_semaphore, #tpu.memory_space<semaphore_mem>>)
    %add3A_24 = arith.constant 80 : i32
    %add3A_25 = arith.addi %mul3A_2, %add3A_24 : i32
    %dma_start3A_26 = tpu.memref_slice %arg4[%add3A_25] : memref<320000xi32, #tpu.memory_space<hbm>> -> memref<80xi32, #tpu.memory_space<hbm>>
    %dma_start3A_27 = tpu.memref_slice %arg4[%add3A_25] : memref<320000xi32, #tpu.memory_space<hbm>> -> memref<80xi32, #tpu.memory_space<hbm>>
    tpu.enqueue_dma source(%dma_start3A_27 : memref<80xi32, #tpu.memory_space<hbm>>) target(%arg10 : memref<80xi32, #tpu.memory_space<vmem>>) target_semaphore(%arg14 : memref<!tpu.dma_semaphore, #tpu.memory_space<semaphore_mem>>)
    %scan3A = arith.constant 0 : i32
    %scan3A_28 = arith.constant 0 : i32
    %scan3A_29 = arith.constant 63 : i32
    %scan3A_30 = arith.addi %scan3A_28, %scan3A_29 : i32
    %scan3A_31 = arith.constant 1 : i32
    scf.for %scan3A_38 = %scan3A_28 to %scan3A_30 step %scan3A_31  : i32 {
      %mul3A_39 = arith.constant 2 : i32
      %mul3A_40 = arith.muli %scan3A_38, %mul3A_39 : i32
      %dma_wait3A_41 = arith.constant 0 : i32
      %dma_wait3A_42 = arith.constant 0 : i32
      %dma_wait3A_43 = tpu.memref_slice %arg2[%dma_wait3A_41, %dma_wait3A_42] : memref<10000x128xf32, #tpu.memory_space<hbm>> -> memref<10000x128xf32, #tpu.memory_space<hbm>>
      tpu.wait_indirect_dma semaphore(%arg15 : memref<!tpu.dma_semaphore, #tpu.memory_space<semaphore_mem>>) src(%dma_wait3A_43 : memref<10000x128xf32, #tpu.memory_space<hbm>>) dst(%arg11 : memref<80x128xf32, #tpu.memory_space<vmem>>)
      %add3A_44 = arith.constant 1 : i32
      %add3A_45 = arith.addi %mul3A_40, %add3A_44 : i32
      %lt3A = arith.constant 125 : i32
      %lt3A_46 = arith.cmpi slt, %add3A_45, %lt3A : i32
      %convert_element_type3A = arith.extui %lt3A_46 : i1 to i32
      %cond3A = arith.constant 0 : i32
      %cond3A_47 = arith.cmpi ne, %convert_element_type3A, %cond3A : i32
      scf.if %cond3A_47 {
        %dma_wait3A_62 = tpu.memref_slice %arg3[%mul3A_2] : memref<320000xi32, #tpu.memory_space<hbm>> -> memref<80xi32, #tpu.memory_space<hbm>>
        %dma_wait3A_63 = tpu.memref_slice %arg3[%mul3A_2] : memref<320000xi32, #tpu.memory_space<hbm>> -> memref<80xi32, #tpu.memory_space<hbm>>
        tpu.wait_dma2 semaphore(%arg14 : memref<!tpu.dma_semaphore, #tpu.memory_space<semaphore_mem>>) src(%dma_wait3A_63 : memref<80xi32, #tpu.memory_space<hbm>>) dst(%arg8 : memref<80xi32, #tpu.memory_space<vmem>>)
        %dma_wait3A_64 = tpu.memref_slice %arg4[%mul3A_2] : memref<320000xi32, #tpu.memory_space<hbm>> -> memref<80xi32, #tpu.memory_space<hbm>>
        %dma_wait3A_65 = tpu.memref_slice %arg4[%mul3A_2] : memref<320000xi32, #tpu.memory_space<hbm>> -> memref<80xi32, #tpu.memory_space<hbm>>
        tpu.wait_dma2 semaphore(%arg14 : memref<!tpu.dma_semaphore, #tpu.memory_space<semaphore_mem>>) src(%dma_wait3A_65 : memref<80xi32, #tpu.memory_space<hbm>>) dst(%arg10 : memref<80xi32, #tpu.memory_space<vmem>>)
        %dma_start3A_66 = arith.constant 0 : i32
        %dma_start3A_67 = arith.constant 0 : i32
        %dma_start3A_68 = tpu.memref_slice %arg2[%dma_start3A_66, %dma_start3A_67] : memref<10000x128xf32, #tpu.memory_space<hbm>> -> memref<10000x128xf32, #tpu.memory_space<hbm>>
        tpu.enqueue_indirect_dma source(%dma_start3A_68 : memref<10000x128xf32, #tpu.memory_space<hbm>>) target(%arg12 : memref<80x128xf32, #tpu.memory_space<vmem>>) offsets(%arg8 : memref<80xi32, #tpu.memory_space<vmem>>) semaphore(%arg16 : memref<!tpu.dma_semaphore, #tpu.memory_space<semaphore_mem>>)
      } else {
      }
      "tpu.region"() ({
        %run_scoped3A = tpu.sem_alloc : memref<!tpu.dma_semaphore, #tpu.memory_space<semaphore_mem>>
        %dma_start3A_62 = arith.constant 0 : i32
        %dma_start3A_63 = arith.constant 0 : i32
        %dma_start3A_64 = tpu.memref_slice %arg17[%dma_start3A_62, %dma_start3A_63] : memref<10240x128xf32, #tpu.memory_space<vmem_shared>> -> memref<10240x128xf32, #tpu.memory_space<vmem_shared>>
        tpu.enqueue_indirect_dma source(%arg11 : memref<80x128xf32, #tpu.memory_space<vmem>>) target(%dma_start3A_64 : memref<10240x128xf32, #tpu.memory_space<vmem_shared>>) offsets(%arg9 : memref<80xi32, #tpu.memory_space<vmem>>) semaphore(%run_scoped3A : memref<!tpu.dma_semaphore, #tpu.memory_space<semaphore_mem>>) {add = true}
        %dma_wait3A_65 = arith.constant 0 : i32
        %dma_wait3A_66 = arith.constant 0 : i32
        %dma_wait3A_67 = tpu.memref_slice %arg17[%dma_wait3A_65, %dma_wait3A_66] : memref<10240x128xf32, #tpu.memory_space<vmem_shared>> -> memref<10240x128xf32, #tpu.memory_space<vmem_shared>>
        tpu.wait_indirect_dma semaphore(%run_scoped3A : memref<!tpu.dma_semaphore, #tpu.memory_space<semaphore_mem>>) src(%arg11 : memref<80x128xf32, #tpu.memory_space<vmem>>) dst(%dma_wait3A_67 : memref<10240x128xf32, #tpu.memory_space<vmem_shared>>)
        tpu.yield
      }) : () -> ()
      %add3A_48 = arith.constant 2 : i32
      %add3A_49 = arith.addi %mul3A_40, %add3A_48 : i32
      %lt3A_50 = arith.constant 125 : i32
      %lt3A_51 = arith.cmpi slt, %add3A_49, %lt3A_50 : i32
      %convert_element_type3A_52 = arith.extui %lt3A_51 : i1 to i32
      %cond3A_53 = arith.constant 0 : i32
      %cond3A_54 = arith.cmpi ne, %convert_element_type3A_52, %cond3A_53 : i32
      scf.if %cond3A_54 {
        %add3A_62 = arith.constant 2 : i32
        %add3A_63 = arith.addi %mul3A_40, %add3A_62 : i32
        %mul3A_64 = arith.constant 80 : i32
        %mul3A_65 = arith.muli %add3A_63, %mul3A_64 : i32
        %add3A_66 = arith.addi %mul3A_2, %mul3A_65 : i32
        %dma_start3A_67 = tpu.memref_slice %arg3[%add3A_66] : memref<320000xi32, #tpu.memory_space<hbm>> -> memref<80xi32, #tpu.memory_space<hbm>>
        %dma_start3A_68 = tpu.memref_slice %arg3[%add3A_66] : memref<320000xi32, #tpu.memory_space<hbm>> -> memref<80xi32, #tpu.memory_space<hbm>>
        tpu.enqueue_dma source(%dma_start3A_68 : memref<80xi32, #tpu.memory_space<hbm>>) target(%arg7 : memref<80xi32, #tpu.memory_space<vmem>>) target_semaphore(%arg13 : memref<!tpu.dma_semaphore, #tpu.memory_space<semaphore_mem>>)
        %mul3A_69 = arith.constant 80 : i32
        %mul3A_70 = arith.muli %add3A_63, %mul3A_69 : i32
        %add3A_71 = arith.addi %mul3A_2, %mul3A_70 : i32
        %dma_start3A_72 = tpu.memref_slice %arg4[%add3A_71] : memref<320000xi32, #tpu.memory_space<hbm>> -> memref<80xi32, #tpu.memory_space<hbm>>
        %dma_start3A_73 = tpu.memref_slice %arg4[%add3A_71] : memref<320000xi32, #tpu.memory_space<hbm>> -> memref<80xi32, #tpu.memory_space<hbm>>
        tpu.enqueue_dma source(%dma_start3A_73 : memref<80xi32, #tpu.memory_space<hbm>>) target(%arg9 : memref<80xi32, #tpu.memory_space<vmem>>) target_semaphore(%arg13 : memref<!tpu.dma_semaphore, #tpu.memory_space<semaphore_mem>>)
      } else {
      }
      %add3A_55 = arith.constant 1 : i32
      %add3A_56 = arith.addi %mul3A_40, %add3A_55 : i32
      %lt3A_57 = arith.constant 125 : i32
      %lt3A_58 = arith.cmpi slt, %add3A_56, %lt3A_57 : i32
      %convert_element_type3A_59 = arith.extui %lt3A_58 : i1 to i32
      %cond3A_60 = arith.constant 0 : i32
      %cond3A_61 = arith.cmpi ne, %convert_element_type3A_59, %cond3A_60 : i32
      scf.if %cond3A_61 {
        %add3A_62 = arith.constant 1 : i32
        %add3A_63 = arith.addi %mul3A_40, %add3A_62 : i32
        %dma_wait3A_64 = arith.constant 0 : i32
        %dma_wait3A_65 = arith.constant 0 : i32
        %dma_wait3A_66 = tpu.memref_slice %arg2[%dma_wait3A_64, %dma_wait3A_65] : memref<10000x128xf32, #tpu.memory_space<hbm>> -> memref<10000x128xf32, #tpu.memory_space<hbm>>
        tpu.wait_indirect_dma semaphore(%arg16 : memref<!tpu.dma_semaphore, #tpu.memory_space<semaphore_mem>>) src(%dma_wait3A_66 : memref<10000x128xf32, #tpu.memory_space<hbm>>) dst(%arg12 : memref<80x128xf32, #tpu.memory_space<vmem>>)
        %add3A_67 = arith.constant 1 : i32
        %add3A_68 = arith.addi %add3A_63, %add3A_67 : i32
        %lt3A_69 = arith.constant 125 : i32
        %lt3A_70 = arith.cmpi slt, %add3A_68, %lt3A_69 : i32
        %convert_element_type3A_71 = arith.extui %lt3A_70 : i1 to i32
        %cond3A_72 = arith.constant 0 : i32
        %cond3A_73 = arith.cmpi ne, %convert_element_type3A_71, %cond3A_72 : i32
        scf.if %cond3A_73 {
          %dma_wait3A_81 = tpu.memref_slice %arg3[%mul3A_2] : memref<320000xi32, #tpu.memory_space<hbm>> -> memref<80xi32, #tpu.memory_space<hbm>>
          %dma_wait3A_82 = tpu.memref_slice %arg3[%mul3A_2] : memref<320000xi32, #tpu.memory_space<hbm>> -> memref<80xi32, #tpu.memory_space<hbm>>
          tpu.wait_dma2 semaphore(%arg13 : memref<!tpu.dma_semaphore, #tpu.memory_space<semaphore_mem>>) src(%dma_wait3A_82 : memref<80xi32, #tpu.memory_space<hbm>>) dst(%arg7 : memref<80xi32, #tpu.memory_space<vmem>>)
          %dma_wait3A_83 = tpu.memref_slice %arg4[%mul3A_2] : memref<320000xi32, #tpu.memory_space<hbm>> -> memref<80xi32, #tpu.memory_space<hbm>>
          %dma_wait3A_84 = tpu.memref_slice %arg4[%mul3A_2] : memref<320000xi32, #tpu.memory_space<hbm>> -> memref<80xi32, #tpu.memory_space<hbm>>
          tpu.wait_dma2 semaphore(%arg13 : memref<!tpu.dma_semaphore, #tpu.memory_space<semaphore_mem>>) src(%dma_wait3A_84 : memref<80xi32, #tpu.memory_space<hbm>>) dst(%arg9 : memref<80xi32, #tpu.memory_space<vmem>>)
          %dma_start3A_85 = arith.constant 0 : i32
          %dma_start3A_86 = arith.constant 0 : i32
          %dma_start3A_87 = tpu.memref_slice %arg2[%dma_start3A_85, %dma_start3A_86] : memref<10000x128xf32, #tpu.memory_space<hbm>> -> memref<10000x128xf32, #tpu.memory_space<hbm>>
          tpu.enqueue_indirect_dma source(%dma_start3A_87 : memref<10000x128xf32, #tpu.memory_space<hbm>>) target(%arg11 : memref<80x128xf32, #tpu.memory_space<vmem>>) offsets(%arg7 : memref<80xi32, #tpu.memory_space<vmem>>) semaphore(%arg15 : memref<!tpu.dma_semaphore, #tpu.memory_space<semaphore_mem>>)
        } else {
        }
        "tpu.region"() ({
          %run_scoped3A = tpu.sem_alloc : memref<!tpu.dma_semaphore, #tpu.memory_space<semaphore_mem>>
          %dma_start3A_81 = arith.constant 0 : i32
          %dma_start3A_82 = arith.constant 0 : i32
          %dma_start3A_83 = tpu.memref_slice %arg17[%dma_start3A_81, %dma_start3A_82] : memref<10240x128xf32, #tpu.memory_space<vmem_shared>> -> memref<10240x128xf32, #tpu.memory_space<vmem_shared>>
          tpu.enqueue_indirect_dma source(%arg12 : memref<80x128xf32, #tpu.memory_space<vmem>>) target(%dma_start3A_83 : memref<10240x128xf32, #tpu.memory_space<vmem_shared>>) offsets(%arg10 : memref<80xi32, #tpu.memory_space<vmem>>) semaphore(%run_scoped3A : memref<!tpu.dma_semaphore, #tpu.memory_space<semaphore_mem>>) {add = true}
          %dma_wait3A_84 = arith.constant 0 : i32
          %dma_wait3A_85 = arith.constant 0 : i32
          %dma_wait3A_86 = tpu.memref_slice %arg17[%dma_wait3A_84, %dma_wait3A_85] : memref<10240x128xf32, #tpu.memory_space<vmem_shared>> -> memref<10240x128xf32, #tpu.memory_space<vmem_shared>>
          tpu.wait_indirect_dma semaphore(%run_scoped3A : memref<!tpu.dma_semaphore, #tpu.memory_space<semaphore_mem>>) src(%arg12 : memref<80x128xf32, #tpu.memory_space<vmem>>) dst(%dma_wait3A_86 : memref<10240x128xf32, #tpu.memory_space<vmem_shared>>)
          tpu.yield
        }) : () -> ()
        %add3A_74 = arith.constant 2 : i32
        %add3A_75 = arith.addi %add3A_63, %add3A_74 : i32
        %lt3A_76 = arith.constant 125 : i32
        %lt3A_77 = arith.cmpi slt, %add3A_75, %lt3A_76 : i32
        %convert_element_type3A_78 = arith.extui %lt3A_77 : i1 to i32
        %cond3A_79 = arith.constant 0 : i32
        %cond3A_80 = arith.cmpi ne, %convert_element_type3A_78, %cond3A_79 : i32
        scf.if %cond3A_80 {
          %add3A_81 = arith.constant 2 : i32
          %add3A_82 = arith.addi %add3A_63, %add3A_81 : i32
          %mul3A_83 = arith.constant 80 : i32
          %mul3A_84 = arith.muli %add3A_82, %mul3A_83 : i32
          %add3A_85 = arith.addi %mul3A_2, %mul3A_84 : i32
          %dma_start3A_86 = tpu.memref_slice %arg3[%add3A_85] : memref<320000xi32, #tpu.memory_space<hbm>> -> memref<80xi32, #tpu.memory_space<hbm>>
          %dma_start3A_87 = tpu.memref_slice %arg3[%add3A_85] : memref<320000xi32, #tpu.memory_space<hbm>> -> memref<80xi32, #tpu.memory_space<hbm>>
          tpu.enqueue_dma source(%dma_start3A_87 : memref<80xi32, #tpu.memory_space<hbm>>) target(%arg8 : memref<80xi32, #tpu.memory_space<vmem>>) target_semaphore(%arg14 : memref<!tpu.dma_semaphore, #tpu.memory_space<semaphore_mem>>)
          %mul3A_88 = arith.constant 80 : i32
          %mul3A_89 = arith.muli %add3A_82, %mul3A_88 : i32
          %add3A_90 = arith.addi %mul3A_2, %mul3A_89 : i32
          %dma_start3A_91 = tpu.memref_slice %arg4[%add3A_90] : memref<320000xi32, #tpu.memory_space<hbm>> -> memref<80xi32, #tpu.memory_space<hbm>>
          %dma_start3A_92 = tpu.memref_slice %arg4[%add3A_90] : memref<320000xi32, #tpu.memory_space<hbm>> -> memref<80xi32, #tpu.memory_space<hbm>>
          tpu.enqueue_dma source(%dma_start3A_92 : memref<80xi32, #tpu.memory_space<hbm>>) target(%arg10 : memref<80xi32, #tpu.memory_space<vmem>>) target_semaphore(%arg14 : memref<!tpu.dma_semaphore, #tpu.memory_space<semaphore_mem>>)
        } else {
        }
      } else {
      }
    }
    %scan3A_32 = arith.constant 63 : i32
    %barrier3A_33 = arith.constant 0 : index
    tpu.barrier barrier_id(%barrier3A_33)
    %mul3A_34 = arith.constant 640 : i32
    %mul3A_35 = arith.muli %arg1, %mul3A_34 : i32
    %mul3A_36 = arith.constant 640 : i32
    %mul3A_37 = arith.muli %arg1, %mul3A_36 : i32
    "tpu.region"() ({
      %run_scoped3A = tpu.sem_alloc : memref<!tpu.dma_semaphore, #tpu.memory_space<semaphore_mem>>
      %dma_start3A_38 = arith.constant 0 : i32
      %dma_start3A_39 = tpu.memref_slice %arg6[%arg0, %mul3A_37, %dma_start3A_38] : memref<2x10240x128xf32, #tpu.memory_space<hbm>> -> memref<1x640x128xf32, #tpu.memory_space<hbm>>
      %dma_start3A_40 = tpu.memref_squeeze %dma_start3A_39 : memref<1x640x128xf32, #tpu.memory_space<hbm>> -> memref<640x128xf32, #tpu.memory_space<hbm>>
      %dma_start3A_41 = arith.constant 0 : i32
      %dma_start3A_42 = tpu.memref_slice %arg17[%mul3A_35, %dma_start3A_41] : memref<10240x128xf32, #tpu.memory_space<vmem_shared>> -> memref<640x128xf32, #tpu.memory_space<vmem_shared>>
      tpu.enqueue_dma source(%dma_start3A_42 : memref<640x128xf32, #tpu.memory_space<vmem_shared>>) target(%dma_start3A_40 : memref<640x128xf32, #tpu.memory_space<hbm>>) target_semaphore(%run_scoped3A : memref<!tpu.dma_semaphore, #tpu.memory_space<semaphore_mem>>)
      %dma_wait3A_43 = arith.constant 0 : i32
      %dma_wait3A_44 = tpu.memref_slice %arg6[%arg0, %mul3A_37, %dma_wait3A_43] : memref<2x10240x128xf32, #tpu.memory_space<hbm>> -> memref<1x640x128xf32, #tpu.memory_space<hbm>>
      %dma_wait3A_45 = tpu.memref_squeeze %dma_wait3A_44 : memref<1x640x128xf32, #tpu.memory_space<hbm>> -> memref<640x128xf32, #tpu.memory_space<hbm>>
      %dma_wait3A_46 = arith.constant 0 : i32
      %dma_wait3A_47 = tpu.memref_slice %arg17[%mul3A_35, %dma_wait3A_46] : memref<10240x128xf32, #tpu.memory_space<vmem_shared>> -> memref<640x128xf32, #tpu.memory_space<vmem_shared>>
      tpu.wait_dma2 semaphore(%run_scoped3A : memref<!tpu.dma_semaphore, #tpu.memory_space<semaphore_mem>>) src(%dma_wait3A_47 : memref<640x128xf32, #tpu.memory_space<vmem_shared>>) dst(%dma_wait3A_45 : memref<640x128xf32, #tpu.memory_space<hbm>>)
      tpu.yield
    }) : () -> ()
    return
  }
}

module attributes {stable_mosaic.version = 14 : i64} {
  func.func @_tc1_body(%arg0: i32, %arg1: memref<1000x128xf32, #tpu.memory_space<vmem>>, %arg2: memref<128x128xf32, #tpu.memory_space<vmem>>, %arg3: memref<2x1000x128xf32, #tpu.memory_space<vmem>>, %arg4: memref<1000x128xf32, #tpu.memory_space<vmem>>) attributes {dimension_semantics = [#tpu.dimension_semantics<arbitrary>], iteration_bounds = array<i64: 10>, scalar_prefetch = 0 : i64, scratch_operands = 0 : i64, tpu.core_type = #tpu.core_type<tc>, window_params = [{transform_indices = @transform_0, window_bounds = array<i64: 1000, 128>}, {pipeline_mode = #tpu.pipeline_mode<synchronous>, transform_indices = @transform_1, window_bounds = array<i64: 128, 128>}, {transform_indices = @transform_2, window_bounds = array<i64: 2, 1000, 128>}, {transform_indices = @transform_3, window_bounds = array<i64: 1000, 128>}]} {
    %get3A = arith.constant 0 : index
    %get3A_0 = arith.constant 0 : index
    %get3A_1 = arith.constant 0 : index
    %get3A_2 = vector.load %arg3[%get3A, %get3A_0, %get3A_1] : memref<2x1000x128xf32, #tpu.memory_space<vmem>>, vector<1x1000x1xf32>
    %get3A_3 = vector.shape_cast %get3A_2 : vector<1x1000x1xf32> to vector<1000x1xf32>
    %get3A_4 = arith.constant 1 : index
    %get3A_5 = arith.constant 0 : index
    %get3A_6 = arith.constant 0 : index
    %get3A_7 = vector.load %arg3[%get3A_4, %get3A_5, %get3A_6] : memref<2x1000x128xf32, #tpu.memory_space<vmem>>, vector<1x1000x1xf32>
    %get3A_8 = vector.shape_cast %get3A_7 : vector<1x1000x1xf32> to vector<1000x1xf32>
    %add3A = arith.addf %get3A_3, %get3A_8 : vector<1000x1xf32>
    %add3A_9 = arith.constant 1.000000e+00 : f32
    %add3A_10 = vector.broadcast %add3A_9 : f32 to vector<1000x1xf32>
    %add3A_11 = arith.addf %add3A, %add3A_10 : vector<1000x1xf32>
    %rsqrt3A = math.rsqrt %add3A_11 : vector<1000x1xf32>
    %get3A_12 = arith.constant 0 : index
    %get3A_13 = arith.constant 0 : index
    %get3A_14 = vector.load %arg1[%get3A_12, %get3A_13] : memref<1000x128xf32, #tpu.memory_space<vmem>>, vector<1000x128xf32>
    %get3A_15 = arith.constant 0 : index
    %get3A_16 = arith.constant 0 : index
    %get3A_17 = vector.load %arg2[%get3A_15, %get3A_16] : memref<128x128xf32, #tpu.memory_space<vmem>>, vector<128x128xf32>
    %dot_general3A = arith.constant dense<0.000000e+00> : vector<1000x128xf32>
    %dot_general3A_18 = tpu.matmul %get3A_14, %get3A_17, %dot_general3A {dimension_numbers = #tpu.dot_dimension_numbers<[1], [0], [0], [1], [0, 0, 1, 1], [], []>, transpose_lhs_hint = false} : vector<1000x128xf32>, vector<128x128xf32>, vector<1000x128xf32> -> vector<1000x128xf32>
    %mul3A = vector.broadcast %rsqrt3A : vector<1000x1xf32> to vector<1000x128xf32>
    %mul3A_19 = arith.mulf %dot_general3A_18, %mul3A : vector<1000x128xf32>
    %swap3A = arith.constant 0 : index
    %swap3A_20 = arith.constant 0 : index
    %swap3A_21 = vector.load %arg4[%swap3A, %swap3A_20] : memref<1000x128xf32, #tpu.memory_space<vmem>>, vector<1000x128xf32>
    tpu.vector_store %arg4[%swap3A, %swap3A_20], %mul3A_19 {strides = array<i32>} : memref<1000x128xf32, #tpu.memory_space<vmem>>, vector<1000x128xf32>,
    return
  }
  func.func @transform_0(%arg0: i32) -> (i32, i32) {
    %c0_i32 = arith.constant 0 : i32
    %c0_i32_0 = arith.constant 0 : i32
    return %arg0, %c0_i32 : i32, i32
  }
  func.func @transform_1(%arg0: i32) -> (i32, i32) {
    %c0_i32 = arith.constant 0 : i32
    %c0_i32_0 = arith.constant 0 : i32
    %c0_i32_1 = arith.constant 0 : i32
    return %c0_i32, %c0_i32_0 : i32, i32
  }
  func.func @transform_2(%arg0: i32) -> (i32, i32, i32) {
    %c0_i32 = arith.constant 0 : i32
    %c0_i32_0 = arith.constant 0 : i32
    %c0_i32_1 = arith.constant 0 : i32
    return %c0_i32, %arg0, %c0_i32_0 : i32, i32, i32
  }
  func.func @transform_3(%arg0: i32) -> (i32, i32) {
    %c0_i32 = arith.constant 0 : i32
    %c0_i32_0 = arith.constant 0 : i32
    return %arg0, %c0_i32 : i32, i32
  }
}

module attributes {stable_mosaic.version = 14 : i64} {
  func.func @_tc2_body(%arg0: i32, %arg1: memref<2x1000x128xf32, #tpu.memory_space<vmem>>, %arg2: memref<1000x128xf32, #tpu.memory_space<vmem>>, %arg3: memref<2x1000x128xf32, #tpu.memory_space<vmem>>, %arg4: memref<1x128xf32, #tpu.memory_space<vmem>>, %arg5: memref<128x128xf32, #tpu.memory_space<vmem>>, %arg6: memref<1000x128xf32, #tpu.memory_space<vmem>>) attributes {dimension_semantics = [#tpu.dimension_semantics<arbitrary>], iteration_bounds = array<i64: 10>, scalar_prefetch = 0 : i64, scratch_operands = 0 : i64, tpu.core_type = #tpu.core_type<tc>, window_params = [{transform_indices = @transform_0, window_bounds = array<i64: 2, 1000, 128>}, {transform_indices = @transform_1, window_bounds = array<i64: 1000, 128>}, {transform_indices = @transform_2, window_bounds = array<i64: 2, 1000, 128>}, {pipeline_mode = #tpu.pipeline_mode<synchronous>, transform_indices = @transform_3, window_bounds = array<i64: 1, 128>}, {pipeline_mode = #tpu.pipeline_mode<synchronous>, transform_indices = @transform_4, window_bounds = array<i64: 128, 128>}, {transform_indices = @transform_5, window_bounds = array<i64: 1000, 128>}]} {
    %get3A = arith.constant 0 : index
    %get3A_0 = arith.constant 0 : index
    %get3A_1 = arith.constant 0 : index
    %get3A_2 = vector.load %arg3[%get3A, %get3A_0, %get3A_1] : memref<2x1000x128xf32, #tpu.memory_space<vmem>>, vector<1x1000x1xf32>
    %get3A_3 = vector.shape_cast %get3A_2 : vector<1x1000x1xf32> to vector<1000x1xf32>
    %get3A_4 = arith.constant 1 : index
    %get3A_5 = arith.constant 0 : index
    %get3A_6 = arith.constant 0 : index
    %get3A_7 = vector.load %arg3[%get3A_4, %get3A_5, %get3A_6] : memref<2x1000x128xf32, #tpu.memory_space<vmem>>, vector<1x1000x1xf32>
    %get3A_8 = vector.shape_cast %get3A_7 : vector<1x1000x1xf32> to vector<1000x1xf32>
    %add3A = arith.addf %get3A_3, %get3A_8 : vector<1000x1xf32>
    %add3A_9 = arith.constant 1.000000e+00 : f32
    %add3A_10 = vector.broadcast %add3A_9 : f32 to vector<1000x1xf32>
    %add3A_11 = arith.addf %add3A, %add3A_10 : vector<1000x1xf32>
    %rsqrt3A = math.rsqrt %add3A_11 : vector<1000x1xf32>
    %get3A_12 = arith.constant 0 : index
    %get3A_13 = arith.constant 0 : index
    %get3A_14 = arith.constant 0 : index
    %get3A_15 = vector.load %arg1[%get3A_12, %get3A_13, %get3A_14] : memref<2x1000x128xf32, #tpu.memory_space<vmem>>, vector<1x1000x128xf32>
    %get3A_16 = vector.shape_cast %get3A_15 : vector<1x1000x128xf32> to vector<1000x128xf32>
    %get3A_17 = arith.constant 1 : index
    %get3A_18 = arith.constant 0 : index
    %get3A_19 = arith.constant 0 : index
    %get3A_20 = vector.load %arg1[%get3A_17, %get3A_18, %get3A_19] : memref<2x1000x128xf32, #tpu.memory_space<vmem>>, vector<1x1000x128xf32>
    %get3A_21 = vector.shape_cast %get3A_20 : vector<1x1000x128xf32> to vector<1000x128xf32>
    %add3A_22 = arith.addf %get3A_16, %get3A_21 : vector<1000x128xf32>
    %get3A_23 = arith.constant 0 : index
    %get3A_24 = arith.constant 0 : index
    %get3A_25 = vector.load %arg2[%get3A_23, %get3A_24] : memref<1000x128xf32, #tpu.memory_space<vmem>>, vector<1000x128xf32>
    %add3A_26 = arith.addf %add3A_22, %get3A_25 : vector<1000x128xf32>
    %mul3A = vector.broadcast %rsqrt3A : vector<1000x1xf32> to vector<1000x128xf32>
    %mul3A_27 = arith.mulf %mul3A, %add3A_26 : vector<1000x128xf32>
    %get3A_28 = arith.constant 0 : index
    %get3A_29 = arith.constant 0 : index
    %get3A_30 = vector.load %arg4[%get3A_28, %get3A_29] : memref<1x128xf32, #tpu.memory_space<vmem>>, vector<1x128xf32>
    %add3A_31 = vector.broadcast %get3A_30 : vector<1x128xf32> to vector<1000x128xf32>
    %add3A_32 = arith.addf %mul3A_27, %add3A_31 : vector<1000x128xf32>
    %max3A = arith.constant 0.000000e+00 : f32
    %max3A_33 = vector.broadcast %max3A : f32 to vector<1000x128xf32>
    %max3A_34 = arith.maximumf %add3A_32, %max3A_33 : vector<1000x128xf32>
    %get3A_35 = arith.constant 0 : index
    %get3A_36 = arith.constant 0 : index
    %get3A_37 = vector.load %arg5[%get3A_35, %get3A_36] : memref<128x128xf32, #tpu.memory_space<vmem>>, vector<128x128xf32>
    %dot_general3A = arith.constant dense<0.000000e+00> : vector<1000x128xf32>
    %dot_general3A_38 = tpu.matmul %max3A_34, %get3A_37, %dot_general3A {dimension_numbers = #tpu.dot_dimension_numbers<[1], [0], [0], [1], [0, 0, 1, 1], [], []>, transpose_lhs_hint = false} : vector<1000x128xf32>, vector<128x128xf32>, vector<1000x128xf32> -> vector<1000x128xf32>
    %mul3A_39 = vector.broadcast %rsqrt3A : vector<1000x1xf32> to vector<1000x128xf32>
    %mul3A_40 = arith.mulf %dot_general3A_38, %mul3A_39 : vector<1000x128xf32>
    %swap3A = arith.constant 0 : index
    %swap3A_41 = arith.constant 0 : index
    %swap3A_42 = vector.load %arg6[%swap3A, %swap3A_41] : memref<1000x128xf32, #tpu.memory_space<vmem>>, vector<1000x128xf32>
    tpu.vector_store %arg6[%swap3A, %swap3A_41], %mul3A_40 {strides = array<i32>} : memref<1000x128xf32, #tpu.memory_space<vmem>>, vector<1000x128xf32>,
    return
  }
  func.func @transform_0(%arg0: i32) -> (i32, i32, i32) {
    %c0_i32 = arith.constant 0 : i32
    %c0_i32_0 = arith.constant 0 : i32
    %c0_i32_1 = arith.constant 0 : i32
    return %c0_i32, %arg0, %c0_i32_0 : i32, i32, i32
  }
  func.func @transform_1(%arg0: i32) -> (i32, i32) {
    %c0_i32 = arith.constant 0 : i32
    %c0_i32_0 = arith.constant 0 : i32
    return %arg0, %c0_i32 : i32, i32
  }
  func.func @transform_2(%arg0: i32) -> (i32, i32, i32) {
    %c0_i32 = arith.constant 0 : i32
    %c0_i32_0 = arith.constant 0 : i32
    %c0_i32_1 = arith.constant 0 : i32
    return %c0_i32, %arg0, %c0_i32_0 : i32, i32, i32
  }
  func.func @transform_3(%arg0: i32) -> (i32, i32) {
    %c0_i32 = arith.constant 0 : i32
    %c0_i32_0 = arith.constant 0 : i32
    %c0_i32_1 = arith.constant 0 : i32
    return %c0_i32, %c0_i32_0 : i32, i32
  }
  func.func @transform_4(%arg0: i32) -> (i32, i32) {
    %c0_i32 = arith.constant 0 : i32
    %c0_i32_0 = arith.constant 0 : i32
    %c0_i32_1 = arith.constant 0 : i32
    return %c0_i32, %c0_i32_0 : i32, i32
  }
  func.func @transform_5(%arg0: i32) -> (i32, i32) {
    %c0_i32 = arith.constant 0 : i32
    %c0_i32_0 = arith.constant 0 : i32
    return %arg0, %c0_i32 : i32, i32
  }
}

module attributes {stable_mosaic.version = 14 : i64} {
  func.func @_tc3_body(%arg0: i32, %arg1: memref<2x1000x128xf32, #tpu.memory_space<vmem>>, %arg2: memref<1000x128xf32, #tpu.memory_space<vmem>>, %arg3: memref<2x1000x128xf32, #tpu.memory_space<vmem>>, %arg4: memref<1x128xf32, #tpu.memory_space<vmem>>, %arg5: memref<1000x128xf32, #tpu.memory_space<vmem>>) attributes {dimension_semantics = [#tpu.dimension_semantics<arbitrary>], iteration_bounds = array<i64: 10>, scalar_prefetch = 0 : i64, scratch_operands = 0 : i64, tpu.core_type = #tpu.core_type<tc>, window_params = [{transform_indices = @transform_0, window_bounds = array<i64: 2, 1000, 128>}, {transform_indices = @transform_1, window_bounds = array<i64: 1000, 128>}, {transform_indices = @transform_2, window_bounds = array<i64: 2, 1000, 128>}, {pipeline_mode = #tpu.pipeline_mode<synchronous>, transform_indices = @transform_3, window_bounds = array<i64: 1, 128>}, {transform_indices = @transform_4, window_bounds = array<i64: 1000, 128>}]} {
    %get3A = arith.constant 0 : index
    %get3A_0 = arith.constant 0 : index
    %get3A_1 = arith.constant 0 : index
    %get3A_2 = vector.load %arg3[%get3A, %get3A_0, %get3A_1] : memref<2x1000x128xf32, #tpu.memory_space<vmem>>, vector<1x1000x1xf32>
    %get3A_3 = vector.shape_cast %get3A_2 : vector<1x1000x1xf32> to vector<1000x1xf32>
    %get3A_4 = arith.constant 1 : index
    %get3A_5 = arith.constant 0 : index
    %get3A_6 = arith.constant 0 : index
    %get3A_7 = vector.load %arg3[%get3A_4, %get3A_5, %get3A_6] : memref<2x1000x128xf32, #tpu.memory_space<vmem>>, vector<1x1000x1xf32>
    %get3A_8 = vector.shape_cast %get3A_7 : vector<1x1000x1xf32> to vector<1000x1xf32>
    %add3A = arith.addf %get3A_3, %get3A_8 : vector<1000x1xf32>
    %add3A_9 = arith.constant 1.000000e+00 : f32
    %add3A_10 = vector.broadcast %add3A_9 : f32 to vector<1000x1xf32>
    %add3A_11 = arith.addf %add3A, %add3A_10 : vector<1000x1xf32>
    %rsqrt3A = math.rsqrt %add3A_11 : vector<1000x1xf32>
    %get3A_12 = arith.constant 0 : index
    %get3A_13 = arith.constant 0 : index
    %get3A_14 = arith.constant 0 : index
    %get3A_15 = vector.load %arg1[%get3A_12, %get3A_13, %get3A_14] : memref<2x1000x128xf32, #tpu.memory_space<vmem>>, vector<1x1000x128xf32>
    %get3A_16 = vector.shape_cast %get3A_15 : vector<1x1000x128xf32> to vector<1000x128xf32>
    %get3A_17 = arith.constant 1 : index
    %get3A_18 = arith.constant 0 : index
    %get3A_19 = arith.constant 0 : index
    %get3A_20 = vector.load %arg1[%get3A_17, %get3A_18, %get3A_19] : memref<2x1000x128xf32, #tpu.memory_space<vmem>>, vector<1x1000x128xf32>
    %get3A_21 = vector.shape_cast %get3A_20 : vector<1x1000x128xf32> to vector<1000x128xf32>
    %add3A_22 = arith.addf %get3A_16, %get3A_21 : vector<1000x128xf32>
    %get3A_23 = arith.constant 0 : index
    %get3A_24 = arith.constant 0 : index
    %get3A_25 = vector.load %arg2[%get3A_23, %get3A_24] : memref<1000x128xf32, #tpu.memory_space<vmem>>, vector<1000x128xf32>
    %add3A_26 = arith.addf %add3A_22, %get3A_25 : vector<1000x128xf32>
    %mul3A = vector.broadcast %rsqrt3A : vector<1000x1xf32> to vector<1000x128xf32>
    %mul3A_27 = arith.mulf %mul3A, %add3A_26 : vector<1000x128xf32>
    %get3A_28 = arith.constant 0 : index
    %get3A_29 = arith.constant 0 : index
    %get3A_30 = vector.load %arg4[%get3A_28, %get3A_29] : memref<1x128xf32, #tpu.memory_space<vmem>>, vector<1x128xf32>
    %add3A_31 = vector.broadcast %get3A_30 : vector<1x128xf32> to vector<1000x128xf32>
    %add3A_32 = arith.addf %mul3A_27, %add3A_31 : vector<1000x128xf32>
    %swap3A = arith.constant 0 : index
    %swap3A_33 = arith.constant 0 : index
    %swap3A_34 = vector.load %arg5[%swap3A, %swap3A_33] : memref<1000x128xf32, #tpu.memory_space<vmem>>, vector<1000x128xf32>
    tpu.vector_store %arg5[%swap3A, %swap3A_33], %add3A_32 {strides = array<i32>} : memref<1000x128xf32, #tpu.memory_space<vmem>>, vector<1000x128xf32>,
    return
  }
  func.func @transform_0(%arg0: i32) -> (i32, i32, i32) {
    %c0_i32 = arith.constant 0 : i32
    %c0_i32_0 = arith.constant 0 : i32
    %c0_i32_1 = arith.constant 0 : i32
    return %c0_i32, %arg0, %c0_i32_0 : i32, i32, i32
  }
  func.func @transform_1(%arg0: i32) -> (i32, i32) {
    %c0_i32 = arith.constant 0 : i32
    %c0_i32_0 = arith.constant 0 : i32
    return %arg0, %c0_i32 : i32, i32
  }
  func.func @transform_2(%arg0: i32) -> (i32, i32, i32) {
    %c0_i32 = arith.constant 0 : i32
    %c0_i32_0 = arith.constant 0 : i32
    %c0_i32_1 = arith.constant 0 : i32
    return %c0_i32, %arg0, %c0_i32_0 : i32, i32, i32
  }
  func.func @transform_3(%arg0: i32) -> (i32, i32) {
    %c0_i32 = arith.constant 0 : i32
    %c0_i32_0 = arith.constant 0 : i32
    %c0_i32_1 = arith.constant 0 : i32
    return %c0_i32, %c0_i32_0 : i32, i32
  }
  func.func @transform_4(%arg0: i32) -> (i32, i32) {
    %c0_i32 = arith.constant 0 : i32
    %c0_i32_0 = arith.constant 0 : i32
    return %arg0, %c0_i32 : i32, i32
  }
}

</mosaic_0001>

<sc_bundles>
// kernel: kernel.11.cloned.1.call-start
scs
__scs_entry_jumppad:
0x0: {  	(pc) =	sbr.rel $0x88, $3  }
0x1: {  	(tag) =	ssettag $0x0;
	lr =	simm.s32 $0x1  }
0x2: {  	[smem:$0x3F9B] =	sst lr;
	_ =	strace $0xD0000000  }
0x3: {  	_ = 	snop  }
0x4: {  	_ = 	snop  }
0x5: {  	_ = 	snop  }
0x6: {  	_ = 	snop  }
0x7: {  	_ = 	snop  }
__scs_overlays_trampoline_lowered:
0x8: {  	[smem:$0x3FAA] =	sst s0  }
0x9: {  	[smem:$0x3FAB] =	sst s1  }
0xa: {  	[smem:$0x3FAC] =	sst s2  }
0xb: {  	[smem:$0x3FAD] =	sst s3  }
0xc: {  	[smem:$0x3FAE] =	sst s4  }
0xd: {  	[smem:$0x3FAF] =	sst s5  }
0xe: {  	[smem:$0x3FB0] =	sst s6  }
0xf: {  	[smem:$0x3FB1] =	sst s7  }
0x10: {  	[smem:$0x3FB2] =	sst s8  }
0x11: {  	[smem:$0x3FB3] =	sst s9;
	s0 =	simm.s32 @!p0 $0x0  }
0x12: {  	s1 =	sld [smem:$0x3F99];
	s0 =	simm.s32 @p0 $0x1  }
0x13: {  	[smem:$0x3FB4] =	sst s0;
	s0 =	simm.s32 @!p1 $0x0  }
0x14: {  	s2 =	sld [smem:$0x3F98];
	s0 =	simm.s32 @p1 $0x1  }
0x15: {  	[smem:$0x3FB5] =	sst s0;
	s0 =	simm.s32 @!p2 $0x0  }
0x16: {  	s3 =	sld [smem:$0x3FDB];
	s0 =	simm.s32 @p2 $0x1  }
0x17: {  	s4 =	simm.s32 $0x1BF5;
	[smem:$0x3FB7] =	sst s0  }
0x18: {  	s0 =	sld [smem:$0x3F9A];
	_ =	swait.ge [sflag:s4], $0x0  }
0x19: {  	s7 =	sld [smem:$0x3F9B]  }
0x1a: {  	s8 =	sadd.s32 $0xFFFFE003, lr  }
0x1b: {  	s9 =	sadd.s32 $0xFFFFFEF7, lr;
	s5 =	simm.s32 $0xFFFFFFFF;
	p2 =	slt.u32 s8, $0xFFFFF086  }
0x1c: {  	p1 =	slt.u32 s9, $0xF7A;
	s5 =	simm.s32 @!p2 $0x0  }
0x1d: {  	s5 =	simm.s32 @p1 $0x1;
	p0 =	seq.s32 s7, s2  }
0x1e: {  	s7 =	smul.u32 @!p0 $0xF7A, s2;
	p2 =	seq.s32 @!p0 s5, $0x0  }
0x1f: {  	s9 =	smul.u32 $0xF7A, s1;
	s8 =	simm.s32 @!p0 $0x1BF5;
	p2 =	por !p2, p0  }
0x20: {  	[sflag:s8] =	ssyncset.s32 @!p0 $0xFFFFF086;
	s6 =	sadd.s32 @!p0 s3, s7;
	s7 =	simm.s32 @!p0 $0x108  }
0x21: {  	s3 =	sadd.s32 s3, s9;
	s6 =	sadd.s32 @!p0 $0x88, s6;
	s7 =	simm.s32 @p2 $0x1082  }
0x22: {  	[simem:s7], [sflag:s8] =	dma.local @!p0 [hbm:s6], $0xF7A  }
0x23: {  	s9 =	sor.u32 $0xD0000000, s2;
	s6 =	simm.s32 $0x108;
	_ =	swait.ge @!p0 [sflag:s8], $0x0  }
0x24: {  	s3 =	sadd.s32 $0x88, s3;
	s6 =	simm.s32 @!p1 $0x1082;
	[sflag:s4] =	ssyncset.s32 $0xFFFFF086  }
0x25: {  	[simem:s6], [sflag:s4] =	dma.local [hbm:s3], $0xF7A  }
0x26: {  	[smem:$0x3F9B] =	sst s1;
	(tag) =	ssettag s2;
	_ =	strace s9  }
0x27: {  	s1 =	sld [smem:$0x3FAB]  }
0x28: {  	s2 =	sld [smem:$0x3FAC]  }
0x29: {  	s4 =	sld [smem:$0x3FAE]  }
0x2a: {  	p0 =	seq.s32 s5, $0x0;
	s5 =	sld [smem:$0x3FAF]  }
0x2b: {  	s6 =	sld [smem:$0x3FB0]  }
0x2c: {  	s7 =	sld [smem:$0x3FB1]  }
0x2d: {  	s3 =	simm.s32 $0x108;
	s8 =	sld [smem:$0x3FB2]  }
0x2e: {  	s3 =	simm.s32 @!p0 $0x1082;
	s9 =	sld [smem:$0x3FB3]  }
0x2f: {  	lr =	sadd.s32 s0, s3;
	s0 =	sld [smem:$0x3FAA]  }
0x30: {  	s3 =	sld [smem:$0x3FAD]  }
0x31: {  	[smem:$0x3FB6] =	sst s10  }
0x32: {  	s10 =	sld [smem:$0x3FB4];
	_ =	sdelay $0x3  }
0x33: {  	p0 =	seq.s32 s10, $0x1;
	s10 =	sld [smem:$0x3FB6];
	_ =	sdelay $0x3  }
0x34: {  	[smem:$0x3FB6] =	sst s10  }
0x35: {  	s10 =	sld [smem:$0x3FB5];
	_ =	sdelay $0x3  }
0x36: {  	p1 =	seq.s32 s10, $0x1;
	s10 =	sld [smem:$0x3FB6];
	_ =	sdelay $0x3  }
0x37: {  	[smem:$0x3FB6] =	sst s10  }
0x38: {  	s10 =	sld [smem:$0x3FB7]  }
0x39: {  	_ = 	snop;
	(pc) =	sbr.ind lr, $3  }
0x3a: {  	_ = 	snop  }
0x3b: {  	_ = 	snop  }
0x3c: {  	p2 =	seq.s32 s10, $0x1;
	s10 =	sld [smem:$0x3FB6]  }
0x3d: {  	_ =	shalt  }
0x3e: {  	_ =	shalt  }
0x3f: {  	_ =	shalt  }
0x40: {  	_ =	shalt  }
0x41: {  	_ =	shalt  }
0x42: {  	_ =	shalt  }
0x43: {  	_ =	shalt  }
0x44: {  	_ =	shalt  }
0x45: {  	_ =	shalt  }
0x46: {  	_ =	shalt  }
0x47: {  	_ =	shalt  }
0x48: {  	_ =	shalt  }
0x49: {  	_ =	shalt  }
0x4a: {  	_ =	shalt  }
0x4b: {  	_ =	shalt  }
0x4c: {  	_ =	shalt  }
0x4d: {  	_ =	shalt  }
0x4e: {  	_ =	shalt  }
0x4f: {  	_ =	shalt  }
0x50: {  	_ =	shalt  }
0x51: {  	_ =	shalt  }
0x52: {  	_ =	shalt  }
0x53: {  	_ =	shalt  }
0x54: {  	_ =	shalt  }
0x55: {  	_ =	shalt  }
0x56: {  	_ =	shalt  }
0x57: {  	_ =	shalt  }
0x58: {  	_ =	shalt  }
0x59: {  	_ =	shalt  }
0x5a: {  	_ =	shalt  }
0x5b: {  	_ =	shalt  }
0x5c: {  	_ =	shalt  }
0x5d: {  	_ =	shalt  }
0x5e: {  	_ =	shalt  }
0x5f: {  	_ =	shalt  }
0x60: {  	_ =	shalt  }
0x61: {  	_ =	shalt  }
0x62: {  	_ =	shalt  }
0x63: {  	_ =	shalt  }
0x64: {  	_ =	shalt  }
0x65: {  	_ =	shalt  }
0x66: {  	_ =	shalt  }
0x67: {  	_ =	shalt  }
0x68: {  	_ =	shalt  }
0x69: {  	_ =	shalt  }
0x6a: {  	_ =	shalt  }
0x6b: {  	_ =	shalt  }
0x6c: {  	_ =	shalt  }
0x6d: {  	_ =	shalt  }
0x6e: {  	_ =	shalt  }
0x6f: {  	_ =	shalt  }
0x70: {  	_ =	shalt  }
0x71: {  	_ =	shalt  }
0x72: {  	_ =	shalt  }
0x73: {  	_ =	shalt  }
0x74: {  	_ =	shalt  }
0x75: {  	_ =	shalt  }
0x76: {  	_ =	shalt  }
0x77: {  	_ =	shalt  }
0x78: {  	_ =	shalt  }
0x79: {  	_ =	shalt  }
0x7a: {  	_ =	shalt  }
0x7b: {  	_ =	shalt  }
0x7c: {  	_ =	shalt  }
0x7d: {  	_ =	shalt  }
0x7e: {  	_ =	shalt  }
0x7f: {  	_ =	shalt  }
0x80: {  	_ =	shalt  }
0x81: {  	_ =	shalt  }
0x82: {  	_ =	shalt  }
0x83: {  	_ =	shalt  }
0x84: {  	_ =	shalt  }
0x85: {  	_ =	shalt  }
0x86: {  	_ =	shalt  }
0x87: {  	_ =	shalt  }
.Lfunc_end0:
.L_simem_size_0:
called_computation.1_lowered:
.L_overlay_start_0:
0x88: {  	s2 =	sld [smem:$0x3FD9]  }
0x89: {  	s3 =	sld [smem:$0x3FFE];
	_ =	sdelay $0x1  }
0x8a: {  	s1 =	srdreg.scid  }
0x8b: {  	s0 =	sand.u32 $0x1, s1  }
0x8c: {  	s17 =	sshll.u32 s0, $0xA;
	s2 =	sadd.s32 s3, s2  }
0x8d: {  	s2 =	sadd.s32 s2, s17  }
0x8e: {  	[smem:$0x3FC2] =	sst s2  }
0x8f: {  	_ = 	snop  }
0x90: {  	s2 =	sld [smem:$0x3FD0];
	(tm) =	ssettm $0x1  }
0x91: {  	s18 =	sld [smem:$0x3FFB];
	_ =	sdelay $0x3  }
0x92: {  	_ =	strace s18  }
0x93: {  	s3 =	sld [smem:$0x3FFC];
	_ =	sdelay $0x3  }
0x94: {  	_ =	strace s3  }
0x95: {  	s3 =	sld [smem:$0x3FFD];
	_ =	sdelay $0x3  }
0x96: {  	_ =	strace s3  }
0x97: {  	_ =	strace $0x8FFFFFFF  }
0x98: {  	s19 =	sld [smem:$0x3FDB];
	_ =	sdelay $0x1  }
0x99: {  	s4 =	simm.s32 $_scs_section_size  }
0x9a: {  	s5 =	simm.s32 $_size__tile_overlayer_lowered;
	s6 =	simm.s32 $_tile_overlayer_lowered  }
0x9b: {  	s22 =	simm.s32 $0x1BFF;
	s21 =	sshll.u32 s6, $0x1;
	s3 =	sadd.s32 s4, s19  }
0x9c: {  	s7 =	simm.s32 $0x0;
	s20 =	sshll.u32 s5, $0x1;
	s5 =	sadd.s32 s21, s3  }
0x9d: {  	[timem:s7], [sflag:s22] =	dma.local [hbm:s5], s20  }
0x9e: {  	_ =	swait.ge [sflag:s22], s20  }
0x9f: {  	s4 =	ssub.s32 $0x0, s20;
	[sflag:s22] =	ssyncset.done $0x0  }
0xa0: {  	[sflag:s22] =	ssyncadd.s32 s4;
	_ =	sdelay $0x1  }
0xa1: {  	s23 =	simm.s32 $0x1B8B  }
0xa2: {  	_ =	swait.ge [sflag:s23], $0x1  }
0xa3: {  	[sflag:s23] =	ssyncset.done $0x0  }
0xa4: {  	s25 =	simm.s32 $0x1B8E;
	s24 =	sld [smem:$0x3FFE];
	[sflag:s23] =	ssyncadd.s32 $0xFFFFFFFF  }
0xa5: {  	s26 =	simm.s32 $execute0_lowered;
	[smem:$0x3FD2] =	sst s25  }
0xa6: {  	s5 =	sshll.u32 s26, $0x1;
	_ =	strace $0x80000049;
	[dreg:$0x1] =	wrdreg $0xFFFFFFFF  }
0xa7: {  	s28 =	simm.s32 $_size_execute0_lowered;
	s3 =	sadd.s32 s3, s5;
	[dreg:$0x0] =	wrdreg $0x0  }
0xa8: {  	s5 =	sshll.u32 s28, $0x1;
	[dreg:$0x2] =	wrdreg s3  }
0xa9: {  	[dreg:$0x3] =	wrdreg s5  }
0xaa: {  	[dreg:$0x4] =	wrdreg $0xC0  }
0xab: {  	_ =	task [dreg:s7], $0x5FFFF  }
0xac: {  	[dreg:$0x1] =	wrdreg $0xFFFFFFFF  }
0xad: {  	[dreg:$0x0] =	wrdreg $0x60  }
0xae: {  	[dreg:$0x2] =	wrdreg s2  }
0xaf: {  	[dreg:$0x3] =	wrdreg s24  }
0xb0: {  	[dreg:$0x4] =	wrdreg $0x52000  }
0xb1: {  	[dreg:$0x5] =	wrdreg $0x9  }
0xb2: {  	_ =	task.clear_ibuf [dreg:s7], $0x6FFFF;
	_ =	strace $0x90000049  }
0xb3: {  	s29 =	simm.s32 $0x9;
	_ =	strace $0x8000004B  }
0xb4: {  	_ =	swait.ge [sflag:s29], $0x1  }
0xb5: {  	[sflag:s29] =	ssyncadd.s32 $0xFFFFFFFF  }
0xb6: {  	_ =	strace $0x9000004B  }
0xb7: {  	_ =	sfence  }
0xb8: {  	s30 =	sld [smem:$0x0];
	_ =	sdelay $0x2  }
0xb9: {  	s31 =	sshll.u32 s1, $0xD;
	s1 =	sshrl.u32 s1, $0x2  }
0xba: {  	s3 =	sand.u32 $0x4000, s31;
	s1 =	sadd.s32 s1, s30  }
0xbb: {  	s0 =	sor.u32 s3, s0;
	s1 =	sshll.u32 s1, $0x11  }
0xbc: {  	s0 =	sor.u32 s1, s0  }
0xbd: {  	s0 =	sadd.s32 $0x8F2B, s0  }
0xbe: {  	[sflag:s0] =	ssyncadd.remote.s32 $0x1  }
0xbf: {  	_ =	sfence.sel $0xFFFF  }
0xc0: {  	[dreg:$0x0] =	wrdreg $0xFFFFFFFF;
	(pc) =	sbr.abs _section_cstart, $3  }
0xc1: {  	[dreg:$0x1] =	wrdreg $0xFFFFFFFF  }
0xc2: {  	_ =	task.clear_ibuf [dreg:s7], $0x2FFFF;
	_ =	strace $0x9FFFFFFF  }
0xc3: {  	(tm) =	ssettm $0x7FFFFFFF  }
tec
execute0_lowered:
.L_overlay_start_1:
0x0: {  	(tag) =	ssettag $0x1  }
0x1: {  	s1 =	rddreg [dreg:$0x0]  }
0x2: {  	s0 =	rddreg [dreg:$0x1]  }
0x3: {  	s3 =	rddreg [dreg:$0x2];
	s4 =	simm.s32 $0x0;
	s14 =	stileid.u32  }
0x4: {  	s6 =	srdreg.scid;
	s28 =	simm.s32 $0x2;
	s29 =	simm.s32 $0x2A00  }
0x5: {  	s30 =	simm.s32 $0x4;
	s31 =	simm.s32 $0x0;
	s2 =	smul.u32 $0x14000, s14  }
0x6: {  	[smem:$0x7FF] =	sst s4;
	s5 =	sadd.s32 $0x2200, s0;
	s12 =	smul.u32 $0x50000, s14  }
0x7: {  	s7 =	sand.u32 $0x1, s6;
	s6 =	sadd.s32 $0xC000, s0;
	s21 =	smul.u32 $0x2710, s14  }
0x8: {  	s24 =	sshll.u32 s14, $0x6;
	_ =	strace $0x8000004A;
	s9 =	smul.u32 $0x140000, s7  }
0x9: {  	s10 =	sshll.u32 s7, $0x4;
	s19 =	smul.u32 $0x27100, s7;
	s8 =	sshrl.u32 s2, $0x3  }
0xa: {  	s26 =	sor.u32 s14, s10;
	s10 =	ssub.s32 $0x2, s7;
	s20 =	sshrl.u32 s12, $0x2  }
0xb: {  	s11 =	sadd.s32 s8, s0;
	s2 =	sadd.s32 s2, s9;
	s8 =	smul.u32 $0x2710, s26  }
0xc: {  	s13 =	sshrl.u32 s10, $0x1;
	s17 =	sadd.s32 s20, s3;
	s18 =	sadd.s32 s21, s19  }
0xd: {  	s20 =	simm.s32 $0x5;
	s21 =	simm.s32 $0x1;
	s2 =	sshrl.u32 s2, $0x3  }
0xe: {  	s15 =	ssub.s32 s10, s13;
	s9 =	sadd.s32 $0x15E00, s11;
	s10 =	sor.u32 $0x1C05, s24  }
0xf: {  	s26 =	sadd.s32 $0xF0, s18;
	s19 =	sshrl.u32 s17, $0x3;
	s24 =	simm.s32 $0x80  }
0x10: {  	s0 =	sadd.s32 s2, s0;
	s13 =	sshrl.u32 s8, $0x3;
	s16 =	sshrl.u32 s26, $0x3  }
0x11: {  	s14 =	smax.u32 s15, $0x1;
	s26 =	simm.s32 $0x3;
	s22 =	sadd.s32 s5, s13  }
.Ltmp0:
0x12: {  	s23 =	sadd.s32 s6, s13;
	s25 =	sadd.s32 $0xA, s13;
	(pc) =	sbr.rel .LBB2_1-.Ltmp0, $4  }
0x13: {  	s13 =	sadd.s32 $0x8DE00, s0;
	s15 =	sadd.s32 s16, s6;
	s16 =	sadd.s32 s16, s5  }
0x14: {  	s0 =	sadd.s32 $0xA0, s18;
	s18 =	simm.s32 $0x100;
	[dreg:$0x4] =	wrdreg s22  }
0x15: {  	[dreg:$0x5] =	wrdreg s23;
	s11 =	sadd.s32 s5, s25;
	s12 =	sadd.s32 s6, s25  }
0x16: {  	s22 =	simm.s32 $0x50;
	s23 =	simm.s32 $0x200;
	s25 =	simm.s32 $0x180  }
.LBB2_4:
0x17: {  	_ =	swait.ge [sflag:s26], $0x2800  }
0x18: {  	[sflag:s26] =	ssyncset.done $0x0  }
0x19: {  	[sflag:s26] =	ssyncadd.s32 $0xFFFFD800  }
0x1a: {  	[spmem:s3] =	stream.indirect.scatter.add.f32 [tilespmem:s23], [sflag:$0x5], $0x80, s18, s22, $0xb8;
	[tilespmem:$0x19200] =	vst v63  }
0x1b: {  	_ =	swait.ge [sflag:s20], $0x2800  }
0x1c: {  	s31 =	sadd.s32 $0x1, s31;
	[sflag:s20] =	ssyncset.done $0x0  }
0x1d: {  	p0 =	sne.s32 s31, s14;
	[sflag:s20] =	ssyncadd.s32 $0xFFFFD800  }
.Ltmp1:
0x1e: {  	[bflag:$0x0] =	sbarrier.arrive $0xFFFF;
	(pc) =	sbr.rel @!p0 .LBB2_5-.Ltmp1, $4  }
0x1f: {  	[hbm:s13], [sflag:s10] =	dma.local [spmem:s19], $0x2800  }
0x20: {  	_ =	swait.ge [sflag:s20], $0x2800  }
0x21: {  	[sflag:s20] =	ssyncset.done $0x0  }
0x22: {  	[sflag:s20] =	ssyncadd.s32 $0xFFFFD800  }
.LBB2_1:
0x23: {  	s2 =	rddreg [dreg:$0x4]  }
0x24: {  	[tilespmem:s4], [sflag:$0x1] =	stream.linear.gather [hbm4b:s2+s4], $0x50, $0x38;
	[tilespmem:$0x19200] =	vst v63  }
0x25: {  	s17 =	rddreg [dreg:$0x5]  }
0x26: {  	[tilespmem:s18], [sflag:$0x1] =	stream.linear.gather [hbm4b:s17+s4], $0x50, $0x38;
	[tilespmem:$0x19200] =	vst v63  }
0x27: {  	[spmem:s19], [sflag:s10] =	dma.local [hbm:s9], $0x2800  }
0x28: {  	_ =	swait.ge [sflag:s20], $0x2800  }
0x29: {  	[sflag:s20] =	ssyncset.done $0x0  }
0x2a: {  	[sflag:s20] =	ssyncadd.s32 $0xFFFFD800  }
0x2b: {  	_ =	swait.ge [sflag:s21], $0x50  }
0x2c: {  	[sflag:s21] =	ssyncset.done $0x0  }
0x2d: {  	[sflag:s21] =	ssyncadd.s32 $0xFFFFFFB0  }
0x2e: {  	_ =	swait.ge [sflag:s21], $0x50  }
0x2f: {  	[sflag:s21] =	ssyncset.done $0x0  }
0x30: {  	[sflag:s21] =	ssyncadd.s32 $0xFFFFFFB0  }
0x31: {  	[bflag:$0x0] =	sbarrier.arrive $0xFFFF  }
0x32: {  	[tilespmem:s23], [sflag:$0x3] =	stream.indirect.gather [hbm4b:s1+s22], $0x80, s4, s22, $0xb8;
	[tilespmem:$0x19200] =	vst v63  }
0x33: {  	_ = 	snop  }
0x34: {  	[tilespmem:s24], [sflag:$0x2] =	stream.linear.gather [hbm4b:s11+s4], $0x50, $0x38;
	[tilespmem:$0x19200] =	vst v63  }
0x35: {  	s2 =	simm.s32 $0x0;
	s17 =	smov.u32 s0  }
0x36: {  	[tilespmem:s25], [sflag:$0x2] =	stream.linear.gather [hbm4b:s12+s4], $0x50, $0x38;
	[tilespmem:$0x19200] =	vst v63  }
.LBB2_2:
0x37: {  	_ =	swait.ge [sflag:s26], $0x2800  }
0x38: {  	[sflag:s26] =	ssyncset.done $0x0  }
0x39: {  	[sflag:s26] =	ssyncadd.s32 $0xFFFFD800  }
0x3a: {  	_ =	swait.ge [sflag:s28], $0x50  }
0x3b: {  	[sflag:s28] =	ssyncset.done $0x0  }
0x3c: {  	[sflag:s28] =	ssyncadd.s32 $0xFFFFFFB0  }
0x3d: {  	_ =	swait.ge [sflag:s28], $0x50  }
0x3e: {  	[sflag:s28] =	ssyncset.done $0x0  }
0x3f: {  	[sflag:s28] =	ssyncadd.s32 $0xFFFFFFB0  }
0x40: {  	[tilespmem:s29], [sflag:$0x4] =	stream.indirect.gather [hbm4b:s1+s22], $0x80, s24, s22, $0xb8;
	[tilespmem:$0x19200] =	vst v63  }
0x41: {  	_ = 	snop  }
0x42: {  	[spmem:s3] =	stream.indirect.scatter.add.f32 [tilespmem:s23], [sflag:$0x5], $0x80, s18, s22, $0xb8;
	[tilespmem:$0x19200] =	vst v63  }
0x43: {  	_ =	swait.ge [sflag:s20], $0x2800  }
0x44: {  	s7 =	sshrl.u32 s17, $0x3;
	[sflag:s20] =	ssyncset.done $0x0  }
0x45: {  	s8 =	sadd.s32 s5, s7;
	[sflag:s20] =	ssyncadd.s32 $0xFFFFD800  }
0x46: {  	[tilespmem:s4], [sflag:$0x1] =	stream.linear.gather [hbm4b:s8+s4], $0x50, $0x38;
	[tilespmem:$0x19200] =	vst v63  }
0x47: {  	s7 =	sadd.s32 s6, s7  }
0x48: {  	[tilespmem:s18], [sflag:$0x1] =	stream.linear.gather [hbm4b:s7+s4], $0x50, $0x38;
	[tilespmem:$0x19200] =	vst v63  }
0x49: {  	_ =	swait.ge [sflag:s30], $0x2800  }
0x4a: {  	[sflag:s30] =	ssyncset.done $0x0  }
0x4b: {  	[sflag:s30] =	ssyncadd.s32 $0xFFFFD800  }
0x4c: {  	_ =	swait.ge [sflag:s21], $0x50  }
0x4d: {  	[sflag:s21] =	ssyncset.done $0x0  }
0x4e: {  	[sflag:s21] =	ssyncadd.s32 $0xFFFFFFB0  }
0x4f: {  	_ =	swait.ge [sflag:s21], $0x50  }
0x50: {  	[sflag:s21] =	ssyncset.done $0x0  }
0x51: {  	p0 =	seq.s32 s2, $0x4C4;
	[sflag:s21] =	ssyncadd.s32 $0xFFFFFFB0  }
0x52: {  	[tilespmem:s23], [sflag:$0x3] =	stream.indirect.gather [hbm4b:s1+s22], $0x80, s4, s22, $0xb8;
	[tilespmem:$0x19200] =	vst v63  }
.Ltmp2:
0x53: {  	_ = 	snop;
	(pc) =	sbr.rel @p0 .LBB2_4-.Ltmp2, $4  }
0x54: {  	[spmem:s3] =	stream.indirect.scatter.add.f32 [tilespmem:s29], [sflag:$0x5], $0x80, s25, s22, $0xb8;
	[tilespmem:$0x19200] =	vst v63  }
0x55: {  	_ =	swait.ge [sflag:s20], $0x2800  }
0x56: {  	[sflag:s20] =	ssyncset.done $0x0  }
0x57: {  	[sflag:s20] =	ssyncadd.s32 $0xFFFFD800  }
.Ltmp3:
0x58: {  	(pc) =	sbr.rel .LBB2_2-.Ltmp3, $4  }
0x59: {  	s7 =	sadd.s32 s2, s16  }
0x5a: {  	[tilespmem:s24], [sflag:$0x2] =	stream.linear.gather [hbm4b:s7+s4], $0x50, $0x38;
	[tilespmem:$0x19200] =	vst v63  }
0x5b: {  	s8 =	sadd.s32 s2, s15;
	s2 =	sadd.s32 $0x14, s2;
	s17 =	sadd.s32 $0xA0, s17  }
0x5c: {  	[tilespmem:s25], [sflag:$0x2] =	stream.linear.gather [hbm4b:s8+s4], $0x50, $0x38;
	[tilespmem:$0x19200] =	vst v63  }
.LBB2_5:
0x5d: {  	_ =	sfence.sel $0x180000  }
0x5e: {  	[bflag:$0x0] =	sbarrier.arrive $0xFFFF  }
0x5f: {  	_ =	strace $0x9000004A  }
0x60: {  	s0 =	stileid.u32;
	[bflag:$0x2] =	sbarrier.arrive $0xFFFF  }
0x61: {  	p0 =	sne.s32 s0, $0x0;
	s0 =	rddreg [dreg:$0x3]  }
0x62: {  	s0 =	sadd.s32 @!p0 $0x100000, s0  }
0x63: {  	[sflag:s0] =	ssyncadd.tile.s32 @!p0 $0x1;
	_ =	shalt  }
.Lfunc_end2:
_tile_overlayer_lowered:
.L_overlay_start_2:
0x64: {  	(tag) =	ssettag $0x2  }
0x65: {  	s0 =	rddreg [dreg:$0x0];
	s2 =	stileid.u32  }
0x66: {  	s1 =	rddreg [dreg:$0x1];
	p0 =	sne.s32 s2, $0x0  }
0x67: {  	s3 =	rddreg [dreg:$0x2];
	[bflag:$0x3] =	sbarrier.arrive $0xFFFF;
	s2 =	simm.s32 @!p0 $0x1C05  }
0x68: {  	[timem:s3], [sflag:s2] =	dma.local @!p0 [hbm:s0], s1  }
0x69: {  	s0 =	simm.s32 @!p0 $0x5  }
0x6a: {  	_ =	swait.ge @!p0 [sflag:s0], s1  }
0x6b: {  	s1 =	ssub.s32 @!p0 $0x0, s1;
	[sflag:s0] =	ssyncset.done @!p0 $0x0  }
0x6c: {  	[sflag:s0] =	ssyncadd.s32 @!p0 s1  }
0x6d: {  	[bflag:$0x3] =	sbarrier.arrive $0xFFFF  }
0x6e: {  	_ =	shalt  }

// kernel: kernel.14.cloned.1.call-start
scs
__scs_entry_jumppad:
0x0: {  	(pc) =	sbr.rel $0x88, $3  }
0x1: {  	(tag) =	ssettag $0x0;
	lr =	simm.s32 $0x1  }
0x2: {  	[smem:$0x3F9B] =	sst lr;
	_ =	strace $0xD0000000  }
0x3: {  	_ = 	snop  }
0x4: {  	_ = 	snop  }
0x5: {  	_ = 	snop  }
0x6: {  	_ = 	snop  }
0x7: {  	_ = 	snop  }
__scs_overlays_trampoline_lowered:
0x8: {  	[smem:$0x3FAA] =	sst s0  }
0x9: {  	[smem:$0x3FAB] =	sst s1  }
0xa: {  	[smem:$0x3FAC] =	sst s2  }
0xb: {  	[smem:$0x3FAD] =	sst s3  }
0xc: {  	[smem:$0x3FAE] =	sst s4  }
0xd: {  	[smem:$0x3FAF] =	sst s5  }
0xe: {  	[smem:$0x3FB0] =	sst s6  }
0xf: {  	[smem:$0x3FB1] =	sst s7  }
0x10: {  	[smem:$0x3FB2] =	sst s8  }
0x11: {  	[smem:$0x3FB3] =	sst s9;
	s0 =	simm.s32 @!p0 $0x0  }
0x12: {  	s1 =	sld [smem:$0x3F99];
	s0 =	simm.s32 @p0 $0x1  }
0x13: {  	[smem:$0x3FB4] =	sst s0;
	s0 =	simm.s32 @!p1 $0x0  }
0x14: {  	s2 =	sld [smem:$0x3F98];
	s0 =	simm.s32 @p1 $0x1  }
0x15: {  	[smem:$0x3FB5] =	sst s0;
	s0 =	simm.s32 @!p2 $0x0  }
0x16: {  	s3 =	sld [smem:$0x3FDB];
	s0 =	simm.s32 @p2 $0x1  }
0x17: {  	s4 =	simm.s32 $0x1BF5;
	[smem:$0x3FB7] =	sst s0  }
0x18: {  	s0 =	sld [smem:$0x3F9A];
	_ =	swait.ge [sflag:s4], $0x0  }
0x19: {  	s7 =	sld [smem:$0x3F9B]  }
0x1a: {  	s8 =	sadd.s32 $0xFFFFE003, lr  }
0x1b: {  	s9 =	sadd.s32 $0xFFFFFEF7, lr;
	s5 =	simm.s32 $0xFFFFFFFF;
	p2 =	slt.u32 s8, $0xFFFFF086  }
0x1c: {  	p1 =	slt.u32 s9, $0xF7A;
	s5 =	simm.s32 @!p2 $0x0  }
0x1d: {  	s5 =	simm.s32 @p1 $0x1;
	p0 =	seq.s32 s7, s2  }
0x1e: {  	s7 =	smul.u32 @!p0 $0xF7A, s2;
	p2 =	seq.s32 @!p0 s5, $0x0  }
0x1f: {  	s9 =	smul.u32 $0xF7A, s1;
	s8 =	simm.s32 @!p0 $0x1BF5;
	p2 =	por !p2, p0  }
0x20: {  	[sflag:s8] =	ssyncset.s32 @!p0 $0xFFFFF086;
	s6 =	sadd.s32 @!p0 s3, s7;
	s7 =	simm.s32 @!p0 $0x108  }
0x21: {  	s3 =	sadd.s32 s3, s9;
	s6 =	sadd.s32 @!p0 $0x88, s6;
	s7 =	simm.s32 @p2 $0x1082  }
0x22: {  	[simem:s7], [sflag:s8] =	dma.local @!p0 [hbm:s6], $0xF7A  }
0x23: {  	s9 =	sor.u32 $0xD0000000, s2;
	s6 =	simm.s32 $0x108;
	_ =	swait.ge @!p0 [sflag:s8], $0x0  }
0x24: {  	s3 =	sadd.s32 $0x88, s3;
	s6 =	simm.s32 @!p1 $0x1082;
	[sflag:s4] =	ssyncset.s32 $0xFFFFF086  }
0x25: {  	[simem:s6], [sflag:s4] =	dma.local [hbm:s3], $0xF7A  }
0x26: {  	[smem:$0x3F9B] =	sst s1;
	(tag) =	ssettag s2;
	_ =	strace s9  }
0x27: {  	s1 =	sld [smem:$0x3FAB]  }
0x28: {  	s2 =	sld [smem:$0x3FAC]  }
0x29: {  	s4 =	sld [smem:$0x3FAE]  }
0x2a: {  	p0 =	seq.s32 s5, $0x0;
	s5 =	sld [smem:$0x3FAF]  }
0x2b: {  	s6 =	sld [smem:$0x3FB0]  }
0x2c: {  	s7 =	sld [smem:$0x3FB1]  }
0x2d: {  	s3 =	simm.s32 $0x108;
	s8 =	sld [smem:$0x3FB2]  }
0x2e: {  	s3 =	simm.s32 @!p0 $0x1082;
	s9 =	sld [smem:$0x3FB3]  }
0x2f: {  	lr =	sadd.s32 s0, s3;
	s0 =	sld [smem:$0x3FAA]  }
0x30: {  	s3 =	sld [smem:$0x3FAD]  }
0x31: {  	[smem:$0x3FB6] =	sst s10  }
0x32: {  	s10 =	sld [smem:$0x3FB4];
	_ =	sdelay $0x3  }
0x33: {  	p0 =	seq.s32 s10, $0x1;
	s10 =	sld [smem:$0x3FB6];
	_ =	sdelay $0x3  }
0x34: {  	[smem:$0x3FB6] =	sst s10  }
0x35: {  	s10 =	sld [smem:$0x3FB5];
	_ =	sdelay $0x3  }
0x36: {  	p1 =	seq.s32 s10, $0x1;
	s10 =	sld [smem:$0x3FB6];
	_ =	sdelay $0x3  }
0x37: {  	[smem:$0x3FB6] =	sst s10  }
0x38: {  	s10 =	sld [smem:$0x3FB7]  }
0x39: {  	_ = 	snop;
	(pc) =	sbr.ind lr, $3  }
0x3a: {  	_ = 	snop  }
0x3b: {  	_ = 	snop  }
0x3c: {  	p2 =	seq.s32 s10, $0x1;
	s10 =	sld [smem:$0x3FB6]  }
0x3d: {  	_ =	shalt  }
0x3e: {  	_ =	shalt  }
0x3f: {  	_ =	shalt  }
0x40: {  	_ =	shalt  }
0x41: {  	_ =	shalt  }
0x42: {  	_ =	shalt  }
0x43: {  	_ =	shalt  }
0x44: {  	_ =	shalt  }
0x45: {  	_ =	shalt  }
0x46: {  	_ =	shalt  }
0x47: {  	_ =	shalt  }
0x48: {  	_ =	shalt  }
0x49: {  	_ =	shalt  }
0x4a: {  	_ =	shalt  }
0x4b: {  	_ =	shalt  }
0x4c: {  	_ =	shalt  }
0x4d: {  	_ =	shalt  }
0x4e: {  	_ =	shalt  }
0x4f: {  	_ =	shalt  }
0x50: {  	_ =	shalt  }
0x51: {  	_ =	shalt  }
0x52: {  	_ =	shalt  }
0x53: {  	_ =	shalt  }
0x54: {  	_ =	shalt  }
0x55: {  	_ =	shalt  }
0x56: {  	_ =	shalt  }
0x57: {  	_ =	shalt  }
0x58: {  	_ =	shalt  }
0x59: {  	_ =	shalt  }
0x5a: {  	_ =	shalt  }
0x5b: {  	_ =	shalt  }
0x5c: {  	_ =	shalt  }
0x5d: {  	_ =	shalt  }
0x5e: {  	_ =	shalt  }
0x5f: {  	_ =	shalt  }
0x60: {  	_ =	shalt  }
0x61: {  	_ =	shalt  }
0x62: {  	_ =	shalt  }
0x63: {  	_ =	shalt  }
0x64: {  	_ =	shalt  }
0x65: {  	_ =	shalt  }
0x66: {  	_ =	shalt  }
0x67: {  	_ =	shalt  }
0x68: {  	_ =	shalt  }
0x69: {  	_ =	shalt  }
0x6a: {  	_ =	shalt  }
0x6b: {  	_ =	shalt  }
0x6c: {  	_ =	shalt  }
0x6d: {  	_ =	shalt  }
0x6e: {  	_ =	shalt  }
0x6f: {  	_ =	shalt  }
0x70: {  	_ =	shalt  }
0x71: {  	_ =	shalt  }
0x72: {  	_ =	shalt  }
0x73: {  	_ =	shalt  }
0x74: {  	_ =	shalt  }
0x75: {  	_ =	shalt  }
0x76: {  	_ =	shalt  }
0x77: {  	_ =	shalt  }
0x78: {  	_ =	shalt  }
0x79: {  	_ =	shalt  }
0x7a: {  	_ =	shalt  }
0x7b: {  	_ =	shalt  }
0x7c: {  	_ =	shalt  }
0x7d: {  	_ =	shalt  }
0x7e: {  	_ =	shalt  }
0x7f: {  	_ =	shalt  }
0x80: {  	_ =	shalt  }
0x81: {  	_ =	shalt  }
0x82: {  	_ =	shalt  }
0x83: {  	_ =	shalt  }
0x84: {  	_ =	shalt  }
0x85: {  	_ =	shalt  }
0x86: {  	_ =	shalt  }
0x87: {  	_ =	shalt  }
.Lfunc_end0:
.L_simem_size_0:
called_computation.2_lowered:
.L_overlay_start_0:
0x88: {  	s2 =	sld [smem:$0x3FD9]  }
0x89: {  	s3 =	sld [smem:$0x3FFE];
	_ =	sdelay $0x1  }
0x8a: {  	s1 =	srdreg.scid  }
0x8b: {  	s0 =	sand.u32 $0x1, s1  }
0x8c: {  	s17 =	sshll.u32 s0, $0xA;
	s2 =	sadd.s32 s3, s2  }
0x8d: {  	s2 =	sadd.s32 s2, s17  }
0x8e: {  	[smem:$0x3FC2] =	sst s2  }
0x8f: {  	_ = 	snop  }
0x90: {  	s2 =	sld [smem:$0x3FD0];
	(tm) =	ssettm $0x1  }
0x91: {  	s18 =	sld [smem:$0x3FFB];
	_ =	sdelay $0x3  }
0x92: {  	_ =	strace s18  }
0x93: {  	s3 =	sld [smem:$0x3FFC];
	_ =	sdelay $0x3  }
0x94: {  	_ =	strace s3  }
0x95: {  	s3 =	sld [smem:$0x3FFD];
	_ =	sdelay $0x3  }
0x96: {  	_ =	strace s3  }
0x97: {  	_ =	strace $0x8FFFFFFF  }
0x98: {  	s19 =	sld [smem:$0x3FDB];
	_ =	sdelay $0x1  }
0x99: {  	s4 =	simm.s32 $_scs_section_size  }
0x9a: {  	s5 =	simm.s32 $_size__tile_overlayer_lowered;
	s6 =	simm.s32 $_tile_overlayer_lowered  }
0x9b: {  	s22 =	simm.s32 $0x1BFF;
	s21 =	sshll.u32 s6, $0x1;
	s3 =	sadd.s32 s4, s19  }
0x9c: {  	s7 =	simm.s32 $0x0;
	s20 =	sshll.u32 s5, $0x1;
	s5 =	sadd.s32 s21, s3  }
0x9d: {  	[timem:s7], [sflag:s22] =	dma.local [hbm:s5], s20  }
0x9e: {  	_ =	swait.ge [sflag:s22], s20  }
0x9f: {  	s4 =	ssub.s32 $0x0, s20;
	[sflag:s22] =	ssyncset.done $0x0  }
0xa0: {  	[sflag:s22] =	ssyncadd.s32 s4;
	_ =	sdelay $0x1  }
0xa1: {  	s23 =	simm.s32 $0x1B8B  }
0xa2: {  	_ =	swait.ge [sflag:s23], $0x1  }
0xa3: {  	[sflag:s23] =	ssyncset.done $0x0  }
0xa4: {  	s25 =	simm.s32 $0x1B8E;
	s24 =	sld [smem:$0x3FFE];
	[sflag:s23] =	ssyncadd.s32 $0xFFFFFFFF  }
0xa5: {  	s26 =	simm.s32 $execute0_lowered;
	[smem:$0x3FD2] =	sst s25  }
0xa6: {  	s5 =	sshll.u32 s26, $0x1;
	_ =	strace $0x8000004C;
	[dreg:$0x1] =	wrdreg $0xFFFFFFFF  }
0xa7: {  	s28 =	simm.s32 $_size_execute0_lowered;
	s3 =	sadd.s32 s3, s5;
	[dreg:$0x0] =	wrdreg $0x0  }
0xa8: {  	s5 =	sshll.u32 s28, $0x1;
	[dreg:$0x2] =	wrdreg s3  }
0xa9: {  	[dreg:$0x3] =	wrdreg s5  }
0xaa: {  	[dreg:$0x4] =	wrdreg $0xC0  }
0xab: {  	_ =	task [dreg:s7], $0x5FFFF  }
0xac: {  	[dreg:$0x1] =	wrdreg $0xFFFFFFFF  }
0xad: {  	[dreg:$0x0] =	wrdreg $0x60  }
0xae: {  	[dreg:$0x2] =	wrdreg s2  }
0xaf: {  	[dreg:$0x3] =	wrdreg s24  }
0xb0: {  	[dreg:$0x4] =	wrdreg $0x52000  }
0xb1: {  	[dreg:$0x5] =	wrdreg $0x9  }
0xb2: {  	_ =	task.clear_ibuf [dreg:s7], $0x6FFFF;
	_ =	strace $0x9000004C  }
0xb3: {  	s29 =	simm.s32 $0x9;
	_ =	strace $0x8000004E  }
0xb4: {  	_ =	swait.ge [sflag:s29], $0x1  }
0xb5: {  	[sflag:s29] =	ssyncadd.s32 $0xFFFFFFFF  }
0xb6: {  	_ =	strace $0x9000004E  }
0xb7: {  	_ =	sfence  }
0xb8: {  	s30 =	sld [smem:$0x0];
	_ =	sdelay $0x2  }
0xb9: {  	s31 =	sshll.u32 s1, $0xD;
	s1 =	sshrl.u32 s1, $0x2  }
0xba: {  	s3 =	sand.u32 $0x4000, s31;
	s1 =	sadd.s32 s1, s30  }
0xbb: {  	s0 =	sor.u32 s3, s0;
	s1 =	sshll.u32 s1, $0x11  }
0xbc: {  	s0 =	sor.u32 s1, s0  }
0xbd: {  	s0 =	sadd.s32 $0x8F2B, s0  }
0xbe: {  	[sflag:s0] =	ssyncadd.remote.s32 $0x1  }
0xbf: {  	_ =	sfence.sel $0xFFFF  }
0xc0: {  	[dreg:$0x0] =	wrdreg $0xFFFFFFFF;
	(pc) =	sbr.abs _section_cstart, $3  }
0xc1: {  	[dreg:$0x1] =	wrdreg $0xFFFFFFFF  }
0xc2: {  	_ =	task.clear_ibuf [dreg:s7], $0x2FFFF;
	_ =	strace $0x9FFFFFFF  }
0xc3: {  	(tm) =	ssettm $0x7FFFFFFF  }
tec
execute0_lowered:
.L_overlay_start_1:
0x0: {  	(tag) =	ssettag $0x1  }
0x1: {  	s1 =	rddreg [dreg:$0x0]  }
0x2: {  	s0 =	rddreg [dreg:$0x1]  }
0x3: {  	s3 =	rddreg [dreg:$0x2];
	s4 =	simm.s32 $0x0;
	s14 =	stileid.u32  }
0x4: {  	s6 =	srdreg.scid;
	s28 =	simm.s32 $0x2;
	s29 =	simm.s32 $0x2A00  }
0x5: {  	s30 =	simm.s32 $0x4;
	s31 =	simm.s32 $0x0;
	s2 =	smul.u32 $0x14000, s14  }
0x6: {  	[smem:$0x7FF] =	sst s4;
	s5 =	sadd.s32 $0x2200, s0;
	s12 =	smul.u32 $0x50000, s14  }
0x7: {  	s7 =	sand.u32 $0x1, s6;
	s6 =	sadd.s32 $0xC000, s0;
	s21 =	smul.u32 $0x2710, s14  }
0x8: {  	s24 =	sshll.u32 s14, $0x6;
	_ =	strace $0x8000004D;
	s9 =	smul.u32 $0x140000, s7  }
0x9: {  	s10 =	sshll.u32 s7, $0x4;
	s19 =	smul.u32 $0x27100, s7;
	s8 =	sshrl.u32 s2, $0x3  }
0xa: {  	s26 =	sor.u32 s14, s10;
	s10 =	ssub.s32 $0x2, s7;
	s20 =	sshrl.u32 s12, $0x2  }
0xb: {  	s11 =	sadd.s32 s8, s0;
	s2 =	sadd.s32 s2, s9;
	s8 =	smul.u32 $0x2710, s26  }
0xc: {  	s13 =	sshrl.u32 s10, $0x1;
	s17 =	sadd.s32 s20, s3;
	s18 =	sadd.s32 s21, s19  }
0xd: {  	s20 =	simm.s32 $0x5;
	s21 =	simm.s32 $0x1;
	s2 =	sshrl.u32 s2, $0x3  }
0xe: {  	s15 =	ssub.s32 s10, s13;
	s9 =	sadd.s32 $0x15E00, s11;
	s10 =	sor.u32 $0x1C05, s24  }
0xf: {  	s26 =	sadd.s32 $0xF0, s18;
	s19 =	sshrl.u32 s17, $0x3;
	s24 =	simm.s32 $0x80  }
0x10: {  	s0 =	sadd.s32 s2, s0;
	s13 =	sshrl.u32 s8, $0x3;
	s16 =	sshrl.u32 s26, $0x3  }
0x11: {  	s14 =	smax.u32 s15, $0x1;
	s26 =	simm.s32 $0x3;
	s22 =	sadd.s32 s5, s13  }
.Ltmp0:
0x12: {  	s23 =	sadd.s32 s6, s13;
	s25 =	sadd.s32 $0xA, s13;
	(pc) =	sbr.rel .LBB2_1-.Ltmp0, $4  }
0x13: {  	s13 =	sadd.s32 $0x8DE00, s0;
	s15 =	sadd.s32 s16, s6;
	s16 =	sadd.s32 s16, s5  }
0x14: {  	s0 =	sadd.s32 $0xA0, s18;
	s18 =	simm.s32 $0x100;
	[dreg:$0x4] =	wrdreg s22  }
0x15: {  	[dreg:$0x5] =	wrdreg s23;
	s11 =	sadd.s32 s5, s25;
	s12 =	sadd.s32 s6, s25  }
0x16: {  	s22 =	simm.s32 $0x50;
	s23 =	simm.s32 $0x200;
	s25 =	simm.s32 $0x180  }
.LBB2_4:
0x17: {  	_ =	swait.ge [sflag:s26], $0x2800  }
0x18: {  	[sflag:s26] =	ssyncset.done $0x0  }
0x19: {  	[sflag:s26] =	ssyncadd.s32 $0xFFFFD800  }
0x1a: {  	[spmem:s3] =	stream.indirect.scatter.add.f32 [tilespmem:s23], [sflag:$0x5], $0x80, s18, s22, $0xb8;
	[tilespmem:$0x19200] =	vst v63  }
0x1b: {  	_ =	swait.ge [sflag:s20], $0x2800  }
0x1c: {  	s31 =	sadd.s32 $0x1, s31;
	[sflag:s20] =	ssyncset.done $0x0  }
0x1d: {  	p0 =	sne.s32 s31, s14;
	[sflag:s20] =	ssyncadd.s32 $0xFFFFD800  }
.Ltmp1:
0x1e: {  	[bflag:$0x0] =	sbarrier.arrive $0xFFFF;
	(pc) =	sbr.rel @!p0 .LBB2_5-.Ltmp1, $4  }
0x1f: {  	[hbm:s13], [sflag:s10] =	dma.local [spmem:s19], $0x2800  }
0x20: {  	_ =	swait.ge [sflag:s20], $0x2800  }
0x21: {  	[sflag:s20] =	ssyncset.done $0x0  }
0x22: {  	[sflag:s20] =	ssyncadd.s32 $0xFFFFD800  }
.LBB2_1:
0x23: {  	s2 =	rddreg [dreg:$0x4]  }
0x24: {  	[tilespmem:s4], [sflag:$0x1] =	stream.linear.gather [hbm4b:s2+s4], $0x50, $0x38;
	[tilespmem:$0x19200] =	vst v63  }
0x25: {  	s17 =	rddreg [dreg:$0x5]  }
0x26: {  	[tilespmem:s18], [sflag:$0x1] =	stream.linear.gather [hbm4b:s17+s4], $0x50, $0x38;
	[tilespmem:$0x19200] =	vst v63  }
0x27: {  	[spmem:s19], [sflag:s10] =	dma.local [hbm:s9], $0x2800  }
0x28: {  	_ =	swait.ge [sflag:s20], $0x2800  }
0x29: {  	[sflag:s20] =	ssyncset.done $0x0  }
0x2a: {  	[sflag:s20] =	ssyncadd.s32 $0xFFFFD800  }
0x2b: {  	_ =	swait.ge [sflag:s21], $0x50  }
0x2c: {  	[sflag:s21] =	ssyncset.done $0x0  }
0x2d: {  	[sflag:s21] =	ssyncadd.s32 $0xFFFFFFB0  }
0x2e: {  	_ =	swait.ge [sflag:s21], $0x50  }
0x2f: {  	[sflag:s21] =	ssyncset.done $0x0  }
0x30: {  	[sflag:s21] =	ssyncadd.s32 $0xFFFFFFB0  }
0x31: {  	[bflag:$0x0] =	sbarrier.arrive $0xFFFF  }
0x32: {  	[tilespmem:s23], [sflag:$0x3] =	stream.indirect.gather [hbm4b:s1+s22], $0x80, s4, s22, $0xb8;
	[tilespmem:$0x19200] =	vst v63  }
0x33: {  	_ = 	snop  }
0x34: {  	[tilespmem:s24], [sflag:$0x2] =	stream.linear.gather [hbm4b:s11+s4], $0x50, $0x38;
	[tilespmem:$0x19200] =	vst v63  }
0x35: {  	s2 =	simm.s32 $0x0;
	s17 =	smov.u32 s0  }
0x36: {  	[tilespmem:s25], [sflag:$0x2] =	stream.linear.gather [hbm4b:s12+s4], $0x50, $0x38;
	[tilespmem:$0x19200] =	vst v63  }
.LBB2_2:
0x37: {  	_ =	swait.ge [sflag:s26], $0x2800  }
0x38: {  	[sflag:s26] =	ssyncset.done $0x0  }
0x39: {  	[sflag:s26] =	ssyncadd.s32 $0xFFFFD800  }
0x3a: {  	_ =	swait.ge [sflag:s28], $0x50  }
0x3b: {  	[sflag:s28] =	ssyncset.done $0x0  }
0x3c: {  	[sflag:s28] =	ssyncadd.s32 $0xFFFFFFB0  }
0x3d: {  	_ =	swait.ge [sflag:s28], $0x50  }
0x3e: {  	[sflag:s28] =	ssyncset.done $0x0  }
0x3f: {  	[sflag:s28] =	ssyncadd.s32 $0xFFFFFFB0  }
0x40: {  	[tilespmem:s29], [sflag:$0x4] =	stream.indirect.gather [hbm4b:s1+s22], $0x80, s24, s22, $0xb8;
	[tilespmem:$0x19200] =	vst v63  }
0x41: {  	_ = 	snop  }
0x42: {  	[spmem:s3] =	stream.indirect.scatter.add.f32 [tilespmem:s23], [sflag:$0x5], $0x80, s18, s22, $0xb8;
	[tilespmem:$0x19200] =	vst v63  }
0x43: {  	_ =	swait.ge [sflag:s20], $0x2800  }
0x44: {  	s7 =	sshrl.u32 s17, $0x3;
	[sflag:s20] =	ssyncset.done $0x0  }
0x45: {  	s8 =	sadd.s32 s5, s7;
	[sflag:s20] =	ssyncadd.s32 $0xFFFFD800  }
0x46: {  	[tilespmem:s4], [sflag:$0x1] =	stream.linear.gather [hbm4b:s8+s4], $0x50, $0x38;
	[tilespmem:$0x19200] =	vst v63  }
0x47: {  	s7 =	sadd.s32 s6, s7  }
0x48: {  	[tilespmem:s18], [sflag:$0x1] =	stream.linear.gather [hbm4b:s7+s4], $0x50, $0x38;
	[tilespmem:$0x19200] =	vst v63  }
0x49: {  	_ =	swait.ge [sflag:s30], $0x2800  }
0x4a: {  	[sflag:s30] =	ssyncset.done $0x0  }
0x4b: {  	[sflag:s30] =	ssyncadd.s32 $0xFFFFD800  }
0x4c: {  	_ =	swait.ge [sflag:s21], $0x50  }
0x4d: {  	[sflag:s21] =	ssyncset.done $0x0  }
0x4e: {  	[sflag:s21] =	ssyncadd.s32 $0xFFFFFFB0  }
0x4f: {  	_ =	swait.ge [sflag:s21], $0x50  }
0x50: {  	[sflag:s21] =	ssyncset.done $0x0  }
0x51: {  	p0 =	seq.s32 s2, $0x4C4;
	[sflag:s21] =	ssyncadd.s32 $0xFFFFFFB0  }
0x52: {  	[tilespmem:s23], [sflag:$0x3] =	stream.indirect.gather [hbm4b:s1+s22], $0x80, s4, s22, $0xb8;
	[tilespmem:$0x19200] =	vst v63  }
.Ltmp2:
0x53: {  	_ = 	snop;
	(pc) =	sbr.rel @p0 .LBB2_4-.Ltmp2, $4  }
0x54: {  	[spmem:s3] =	stream.indirect.scatter.add.f32 [tilespmem:s29], [sflag:$0x5], $0x80, s25, s22, $0xb8;
	[tilespmem:$0x19200] =	vst v63  }
0x55: {  	_ =	swait.ge [sflag:s20], $0x2800  }
0x56: {  	[sflag:s20] =	ssyncset.done $0x0  }
0x57: {  	[sflag:s20] =	ssyncadd.s32 $0xFFFFD800  }
.Ltmp3:
0x58: {  	(pc) =	sbr.rel .LBB2_2-.Ltmp3, $4  }
0x59: {  	s7 =	sadd.s32 s2, s16  }
0x5a: {  	[tilespmem:s24], [sflag:$0x2] =	stream.linear.gather [hbm4b:s7+s4], $0x50, $0x38;
	[tilespmem:$0x19200] =	vst v63  }
0x5b: {  	s8 =	sadd.s32 s2, s15;
	s2 =	sadd.s32 $0x14, s2;
	s17 =	sadd.s32 $0xA0, s17  }
0x5c: {  	[tilespmem:s25], [sflag:$0x2] =	stream.linear.gather [hbm4b:s8+s4], $0x50, $0x38;
	[tilespmem:$0x19200] =	vst v63  }
.LBB2_5:
0x5d: {  	_ =	sfence.sel $0x180000  }
0x5e: {  	[bflag:$0x0] =	sbarrier.arrive $0xFFFF  }
0x5f: {  	_ =	strace $0x9000004D  }
0x60: {  	s0 =	stileid.u32;
	[bflag:$0x2] =	sbarrier.arrive $0xFFFF  }
0x61: {  	p0 =	sne.s32 s0, $0x0;
	s0 =	rddreg [dreg:$0x3]  }
0x62: {  	s0 =	sadd.s32 @!p0 $0x100000, s0  }
0x63: {  	[sflag:s0] =	ssyncadd.tile.s32 @!p0 $0x1;
	_ =	shalt  }
.Lfunc_end2:
_tile_overlayer_lowered:
.L_overlay_start_2:
0x64: {  	(tag) =	ssettag $0x2  }
0x65: {  	s0 =	rddreg [dreg:$0x0];
	s2 =	stileid.u32  }
0x66: {  	s1 =	rddreg [dreg:$0x1];
	p0 =	sne.s32 s2, $0x0  }
0x67: {  	s3 =	rddreg [dreg:$0x2];
	[bflag:$0x3] =	sbarrier.arrive $0xFFFF;
	s2 =	simm.s32 @!p0 $0x1C05  }
0x68: {  	[timem:s3], [sflag:s2] =	dma.local @!p0 [hbm:s0], s1  }
0x69: {  	s0 =	simm.s32 @!p0 $0x5  }
0x6a: {  	_ =	swait.ge @!p0 [sflag:s0], s1  }
0x6b: {  	s1 =	ssub.s32 @!p0 $0x0, s1;
	[sflag:s0] =	ssyncset.done @!p0 $0x0  }
0x6c: {  	[sflag:s0] =	ssyncadd.s32 @!p0 s1  }
0x6d: {  	[bflag:$0x3] =	sbarrier.arrive $0xFFFF  }
0x6e: {  	_ =	shalt  }

// kernel: kernel.8.cloned.1.call-start
scs
__scs_entry_jumppad:
0x0: {  	(pc) =	sbr.rel $0x88, $3  }
0x1: {  	(tag) =	ssettag $0x0;
	lr =	simm.s32 $0x1  }
0x2: {  	[smem:$0x3F9B] =	sst lr;
	_ =	strace $0xD0000000  }
0x3: {  	_ = 	snop  }
0x4: {  	_ = 	snop  }
0x5: {  	_ = 	snop  }
0x6: {  	_ = 	snop  }
0x7: {  	_ = 	snop  }
__scs_overlays_trampoline_lowered:
0x8: {  	[smem:$0x3FAA] =	sst s0  }
0x9: {  	[smem:$0x3FAB] =	sst s1  }
0xa: {  	[smem:$0x3FAC] =	sst s2  }
0xb: {  	[smem:$0x3FAD] =	sst s3  }
0xc: {  	[smem:$0x3FAE] =	sst s4  }
0xd: {  	[smem:$0x3FAF] =	sst s5  }
0xe: {  	[smem:$0x3FB0] =	sst s6  }
0xf: {  	[smem:$0x3FB1] =	sst s7  }
0x10: {  	[smem:$0x3FB2] =	sst s8  }
0x11: {  	[smem:$0x3FB3] =	sst s9;
	s0 =	simm.s32 @!p0 $0x0  }
0x12: {  	s1 =	sld [smem:$0x3F99];
	s0 =	simm.s32 @p0 $0x1  }
0x13: {  	[smem:$0x3FB4] =	sst s0;
	s0 =	simm.s32 @!p1 $0x0  }
0x14: {  	s2 =	sld [smem:$0x3F98];
	s0 =	simm.s32 @p1 $0x1  }
0x15: {  	[smem:$0x3FB5] =	sst s0;
	s0 =	simm.s32 @!p2 $0x0  }
0x16: {  	s3 =	sld [smem:$0x3FDB];
	s0 =	simm.s32 @p2 $0x1  }
0x17: {  	s4 =	simm.s32 $0x1BF5;
	[smem:$0x3FB7] =	sst s0  }
0x18: {  	s0 =	sld [smem:$0x3F9A];
	_ =	swait.ge [sflag:s4], $0x0  }
0x19: {  	s7 =	sld [smem:$0x3F9B]  }
0x1a: {  	s8 =	sadd.s32 $0xFFFFE003, lr  }
0x1b: {  	s9 =	sadd.s32 $0xFFFFFEF7, lr;
	s5 =	simm.s32 $0xFFFFFFFF;
	p2 =	slt.u32 s8, $0xFFFFF086  }
0x1c: {  	p1 =	slt.u32 s9, $0xF7A;
	s5 =	simm.s32 @!p2 $0x0  }
0x1d: {  	s5 =	simm.s32 @p1 $0x1;
	p0 =	seq.s32 s7, s2  }
0x1e: {  	s7 =	smul.u32 @!p0 $0xF7A, s2;
	p2 =	seq.s32 @!p0 s5, $0x0  }
0x1f: {  	s9 =	smul.u32 $0xF7A, s1;
	s8 =	simm.s32 @!p0 $0x1BF5;
	p2 =	por !p2, p0  }
0x20: {  	[sflag:s8] =	ssyncset.s32 @!p0 $0xFFFFF086;
	s6 =	sadd.s32 @!p0 s3, s7;
	s7 =	simm.s32 @!p0 $0x108  }
0x21: {  	s3 =	sadd.s32 s3, s9;
	s6 =	sadd.s32 @!p0 $0x88, s6;
	s7 =	simm.s32 @p2 $0x1082  }
0x22: {  	[simem:s7], [sflag:s8] =	dma.local @!p0 [hbm:s6], $0xF7A  }
0x23: {  	s9 =	sor.u32 $0xD0000000, s2;
	s6 =	simm.s32 $0x108;
	_ =	swait.ge @!p0 [sflag:s8], $0x0  }
0x24: {  	s3 =	sadd.s32 $0x88, s3;
	s6 =	simm.s32 @!p1 $0x1082;
	[sflag:s4] =	ssyncset.s32 $0xFFFFF086  }
0x25: {  	[simem:s6], [sflag:s4] =	dma.local [hbm:s3], $0xF7A  }
0x26: {  	[smem:$0x3F9B] =	sst s1;
	(tag) =	ssettag s2;
	_ =	strace s9  }
0x27: {  	s1 =	sld [smem:$0x3FAB]  }
0x28: {  	s2 =	sld [smem:$0x3FAC]  }
0x29: {  	s4 =	sld [smem:$0x3FAE]  }
0x2a: {  	p0 =	seq.s32 s5, $0x0;
	s5 =	sld [smem:$0x3FAF]  }
0x2b: {  	s6 =	sld [smem:$0x3FB0]  }
0x2c: {  	s7 =	sld [smem:$0x3FB1]  }
0x2d: {  	s3 =	simm.s32 $0x108;
	s8 =	sld [smem:$0x3FB2]  }
0x2e: {  	s3 =	simm.s32 @!p0 $0x1082;
	s9 =	sld [smem:$0x3FB3]  }
0x2f: {  	lr =	sadd.s32 s0, s3;
	s0 =	sld [smem:$0x3FAA]  }
0x30: {  	s3 =	sld [smem:$0x3FAD]  }
0x31: {  	[smem:$0x3FB6] =	sst s10  }
0x32: {  	s10 =	sld [smem:$0x3FB4];
	_ =	sdelay $0x3  }
0x33: {  	p0 =	seq.s32 s10, $0x1;
	s10 =	sld [smem:$0x3FB6];
	_ =	sdelay $0x3  }
0x34: {  	[smem:$0x3FB6] =	sst s10  }
0x35: {  	s10 =	sld [smem:$0x3FB5];
	_ =	sdelay $0x3  }
0x36: {  	p1 =	seq.s32 s10, $0x1;
	s10 =	sld [smem:$0x3FB6];
	_ =	sdelay $0x3  }
0x37: {  	[smem:$0x3FB6] =	sst s10  }
0x38: {  	s10 =	sld [smem:$0x3FB7]  }
0x39: {  	_ = 	snop;
	(pc) =	sbr.ind lr, $3  }
0x3a: {  	_ = 	snop  }
0x3b: {  	_ = 	snop  }
0x3c: {  	p2 =	seq.s32 s10, $0x1;
	s10 =	sld [smem:$0x3FB6]  }
0x3d: {  	_ =	shalt  }
0x3e: {  	_ =	shalt  }
0x3f: {  	_ =	shalt  }
0x40: {  	_ =	shalt  }
0x41: {  	_ =	shalt  }
0x42: {  	_ =	shalt  }
0x43: {  	_ =	shalt  }
0x44: {  	_ =	shalt  }
0x45: {  	_ =	shalt  }
0x46: {  	_ =	shalt  }
0x47: {  	_ =	shalt  }
0x48: {  	_ =	shalt  }
0x49: {  	_ =	shalt  }
0x4a: {  	_ =	shalt  }
0x4b: {  	_ =	shalt  }
0x4c: {  	_ =	shalt  }
0x4d: {  	_ =	shalt  }
0x4e: {  	_ =	shalt  }
0x4f: {  	_ =	shalt  }
0x50: {  	_ =	shalt  }
0x51: {  	_ =	shalt  }
0x52: {  	_ =	shalt  }
0x53: {  	_ =	shalt  }
0x54: {  	_ =	shalt  }
0x55: {  	_ =	shalt  }
0x56: {  	_ =	shalt  }
0x57: {  	_ =	shalt  }
0x58: {  	_ =	shalt  }
0x59: {  	_ =	shalt  }
0x5a: {  	_ =	shalt  }
0x5b: {  	_ =	shalt  }
0x5c: {  	_ =	shalt  }
0x5d: {  	_ =	shalt  }
0x5e: {  	_ =	shalt  }
0x5f: {  	_ =	shalt  }
0x60: {  	_ =	shalt  }
0x61: {  	_ =	shalt  }
0x62: {  	_ =	shalt  }
0x63: {  	_ =	shalt  }
0x64: {  	_ =	shalt  }
0x65: {  	_ =	shalt  }
0x66: {  	_ =	shalt  }
0x67: {  	_ =	shalt  }
0x68: {  	_ =	shalt  }
0x69: {  	_ =	shalt  }
0x6a: {  	_ =	shalt  }
0x6b: {  	_ =	shalt  }
0x6c: {  	_ =	shalt  }
0x6d: {  	_ =	shalt  }
0x6e: {  	_ =	shalt  }
0x6f: {  	_ =	shalt  }
0x70: {  	_ =	shalt  }
0x71: {  	_ =	shalt  }
0x72: {  	_ =	shalt  }
0x73: {  	_ =	shalt  }
0x74: {  	_ =	shalt  }
0x75: {  	_ =	shalt  }
0x76: {  	_ =	shalt  }
0x77: {  	_ =	shalt  }
0x78: {  	_ =	shalt  }
0x79: {  	_ =	shalt  }
0x7a: {  	_ =	shalt  }
0x7b: {  	_ =	shalt  }
0x7c: {  	_ =	shalt  }
0x7d: {  	_ =	shalt  }
0x7e: {  	_ =	shalt  }
0x7f: {  	_ =	shalt  }
0x80: {  	_ =	shalt  }
0x81: {  	_ =	shalt  }
0x82: {  	_ =	shalt  }
0x83: {  	_ =	shalt  }
0x84: {  	_ =	shalt  }
0x85: {  	_ =	shalt  }
0x86: {  	_ =	shalt  }
0x87: {  	_ =	shalt  }
.Lfunc_end0:
.L_simem_size_0:
called_computation_lowered:
.L_overlay_start_0:
0x88: {  	s2 =	sld [smem:$0x3FD9]  }
0x89: {  	s3 =	sld [smem:$0x3FFE];
	_ =	sdelay $0x1  }
0x8a: {  	s1 =	srdreg.scid  }
0x8b: {  	s0 =	sand.u32 $0x1, s1  }
0x8c: {  	s17 =	sshll.u32 s0, $0xA;
	s2 =	sadd.s32 s3, s2  }
0x8d: {  	s2 =	sadd.s32 s2, s17  }
0x8e: {  	[smem:$0x3FC2] =	sst s2  }
0x8f: {  	_ = 	snop  }
0x90: {  	s2 =	sld [smem:$0x3FD0];
	(tm) =	ssettm $0x1  }
0x91: {  	s18 =	sld [smem:$0x3FFB];
	_ =	sdelay $0x3  }
0x92: {  	_ =	strace s18  }
0x93: {  	s3 =	sld [smem:$0x3FFC];
	_ =	sdelay $0x3  }
0x94: {  	_ =	strace s3  }
0x95: {  	s3 =	sld [smem:$0x3FFD];
	_ =	sdelay $0x3  }
0x96: {  	_ =	strace s3  }
0x97: {  	_ =	strace $0x8FFFFFFF  }
0x98: {  	s19 =	sld [smem:$0x3FDB];
	_ =	sdelay $0x1  }
0x99: {  	s4 =	simm.s32 $_scs_section_size  }
0x9a: {  	s5 =	simm.s32 $_size__tile_overlayer_lowered;
	s6 =	simm.s32 $_tile_overlayer_lowered  }
0x9b: {  	s22 =	simm.s32 $0x1BFF;
	s21 =	sshll.u32 s6, $0x1;
	s3 =	sadd.s32 s4, s19  }
0x9c: {  	s7 =	simm.s32 $0x0;
	s20 =	sshll.u32 s5, $0x1;
	s5 =	sadd.s32 s21, s3  }
0x9d: {  	[timem:s7], [sflag:s22] =	dma.local [hbm:s5], s20  }
0x9e: {  	_ =	swait.ge [sflag:s22], s20  }
0x9f: {  	s4 =	ssub.s32 $0x0, s20;
	[sflag:s22] =	ssyncset.done $0x0  }
0xa0: {  	[sflag:s22] =	ssyncadd.s32 s4;
	_ =	sdelay $0x1  }
0xa1: {  	s23 =	simm.s32 $0x1B8B  }
0xa2: {  	_ =	swait.ge [sflag:s23], $0x1  }
0xa3: {  	[sflag:s23] =	ssyncset.done $0x0  }
0xa4: {  	s25 =	simm.s32 $0x1B8E;
	s24 =	sld [smem:$0x3FFE];
	[sflag:s23] =	ssyncadd.s32 $0xFFFFFFFF  }
0xa5: {  	s26 =	simm.s32 $execute0_lowered;
	[smem:$0x3FD2] =	sst s25  }
0xa6: {  	s5 =	sshll.u32 s26, $0x1;
	_ =	strace $0x80000046;
	[dreg:$0x1] =	wrdreg $0xFFFFFFFF  }
0xa7: {  	s28 =	simm.s32 $_size_execute0_lowered;
	s3 =	sadd.s32 s3, s5;
	[dreg:$0x0] =	wrdreg $0x0  }
0xa8: {  	s5 =	sshll.u32 s28, $0x1;
	[dreg:$0x2] =	wrdreg s3  }
0xa9: {  	[dreg:$0x3] =	wrdreg s5  }
0xaa: {  	[dreg:$0x4] =	wrdreg $0xC0  }
0xab: {  	_ =	task [dreg:s7], $0x5FFFF  }
0xac: {  	[dreg:$0x1] =	wrdreg $0xFFFFFFFF  }
0xad: {  	[dreg:$0x0] =	wrdreg $0x60  }
0xae: {  	[dreg:$0x2] =	wrdreg s24  }
0xaf: {  	[dreg:$0x3] =	wrdreg s2  }
0xb0: {  	[dreg:$0x4] =	wrdreg $0x29000  }
0xb1: {  	[dreg:$0x5] =	wrdreg $0x9  }
0xb2: {  	_ =	task.clear_ibuf [dreg:s7], $0x6FFFF;
	_ =	strace $0x90000046  }
0xb3: {  	s29 =	simm.s32 $0x9;
	_ =	strace $0x80000048  }
0xb4: {  	_ =	swait.ge [sflag:s29], $0x1  }
0xb5: {  	[sflag:s29] =	ssyncadd.s32 $0xFFFFFFFF  }
0xb6: {  	_ =	strace $0x90000048  }
0xb7: {  	_ =	sfence  }
0xb8: {  	s30 =	sld [smem:$0x0];
	_ =	sdelay $0x2  }
0xb9: {  	s31 =	sshll.u32 s1, $0xD;
	s1 =	sshrl.u32 s1, $0x2  }
0xba: {  	s3 =	sand.u32 $0x4000, s31;
	s1 =	sadd.s32 s1, s30  }
0xbb: {  	s0 =	sor.u32 s3, s0;
	s1 =	sshll.u32 s1, $0x11  }
0xbc: {  	s0 =	sor.u32 s1, s0  }
0xbd: {  	s0 =	sadd.s32 $0x8F2B, s0  }
0xbe: {  	[sflag:s0] =	ssyncadd.remote.s32 $0x1  }
0xbf: {  	_ =	sfence.sel $0xFFFF  }
0xc0: {  	[dreg:$0x0] =	wrdreg $0xFFFFFFFF;
	(pc) =	sbr.abs _section_cstart, $3  }
0xc1: {  	[dreg:$0x1] =	wrdreg $0xFFFFFFFF  }
0xc2: {  	_ =	task.clear_ibuf [dreg:s7], $0x2FFFF;
	_ =	strace $0x9FFFFFFF  }
0xc3: {  	(tm) =	ssettm $0x7FFFFFFF  }
tec
execute0_lowered:
.L_overlay_start_1:
0x0: {  	(tag) =	ssettag $0x1  }
0x1: {  	s6 =	rddreg [dreg:$0x0]  }
0x2: {  	s1 =	rddreg [dreg:$0x1]  }
0x3: {  	s3 =	rddreg [dreg:$0x2]  }
0x4: {  	s0 =	rddreg [dreg:$0x3];
	s5 =	srdreg.scid;
	s4 =	simm.s32 $0x0  }
0x5: {  	s2 =	stileid.u32;
	s18 =	simm.s32 $0x1;
	s19 =	simm.s32 $0x50  }
0x6: {  	s20 =	simm.s32 $0x2;
	s21 =	simm.s32 $0x0;
	s8 =	smul.u32 $0x14000, s2  }
0x7: {  	s7 =	sand.u32 $0x1, s5;
	[smem:$0x7FF] =	sst s4;
	s28 =	smul.u32 $0x50000, s2  }
0x8: {  	s14 =	smul.u32 $0x2710, s2;
	s16 =	sshll.u32 s2, $0x6;
	s5 =	sshll.u32 s7, $0x4  }
0x9: {  	_ =	strace $0x80000047;
	s9 =	smul.u32 $0x140000, s7;
	s12 =	ssub.s32 $0x2, s7  }
0xa: {  	s13 =	smul.u32 $0x27100, s7;
	s16 =	sor.u32 $0x1C03, s16;
	s10 =	sor.u32 s2, s5  }
0xb: {  	s5 =	sadd.s32 $0xC000, s6;
	s11 =	sshrl.u32 s8, $0x3;
	s29 =	sshrl.u32 s12, $0x1  }
0xc: {  	s30 =	sshrl.u32 s28, $0x2;
	s10 =	smul.u32 $0x2710, s10;
	s11 =	sadd.s32 s11, s6  }
0xd: {  	s8 =	sadd.s32 s8, s9;
	s12 =	ssub.s32 s12, s29;
	s13 =	sadd.s32 s14, s13  }
0xe: {  	s17 =	sadd.s32 s30, s3;
	s14 =	simm.s32 $0x100;
	s8 =	sshrl.u32 s8, $0x3  }
.Ltmp0:
0xf: {  	s31 =	sadd.s32 $0xF0, s13;
	s17 =	sshrl.u32 s17, $0x3;
	(pc) =	sbr.rel .LBB2_1-.Ltmp0, $4  }
0x10: {  	s10 =	sshrl.u32 s10, $0x3;
	s15 =	sadd.s32 s8, s6;
	s8 =	sadd.s32 $0x15E00, s11  }
0x11: {  	s11 =	sshrl.u32 s31, $0x3;
	s6 =	sadd.s32 s5, s10;
	s9 =	sadd.s32 $0x3DE00, s15  }
0x12: {  	s10 =	smax.u32 s12, $0x1;
	s11 =	sadd.s32 s11, s5;
	s12 =	sadd.s32 $0xA0, s13  }
0x13: {  	s13 =	simm.s32 $0x80;
	s15 =	simm.s32 $0x3;
	s7 =	sadd.s32 $0xA, s6  }
.LBB2_4:
0x14: {  	_ =	swait.ge [sflag:s18], $0x50  }
0x15: {  	[sflag:s18] =	ssyncset.done $0x0  }
0x16: {  	[sflag:s18] =	ssyncadd.s32 $0xFFFFFFB0  }
0x17: {  	[spmem:s3] =	stream.indirect.scatter.add.f32 [tilespmem:s14], [sflag:$0x3], $0x80, s4, s19, $0xb8;
	[tilespmem:$0x16900] =	vst v63  }
0x18: {  	_ =	swait.ge [sflag:s15], $0x2800  }
0x19: {  	s21 =	sadd.s32 $0x1, s21;
	[sflag:s15] =	ssyncset.done $0x0  }
0x1a: {  	p0 =	sne.s32 s21, s10;
	[sflag:s15] =	ssyncadd.s32 $0xFFFFD800  }
.Ltmp1:
0x1b: {  	[bflag:$0x0] =	sbarrier.arrive $0xFFFF;
	(pc) =	sbr.rel @!p0 .LBB2_5-.Ltmp1, $4  }
0x1c: {  	[hbm:s9], [sflag:s16] =	dma.local [spmem:s17], $0x2800  }
0x1d: {  	_ =	swait.ge [sflag:s15], $0x2800  }
0x1e: {  	[sflag:s15] =	ssyncset.done $0x0  }
0x1f: {  	[sflag:s15] =	ssyncadd.s32 $0xFFFFD800  }
.LBB2_1:
0x20: {  	[tilespmem:s4], [sflag:$0x1] =	stream.linear.gather [hbm4b:s6+s4], $0x50, $0x38;
	[tilespmem:$0x16900] =	vst v63  }
0x21: {  	_ = 	snop  }
0x22: {  	[tilespmem:s13], [sflag:$0x2] =	stream.linear.gather [hbm4b:s7+s4], $0x50, $0x38;
	[tilespmem:$0x16900] =	vst v63  }
0x23: {  	_ = 	snop  }
0x24: {  	[tilespmem:s14], [sflag:$0x3] =	stream.linear.gather [hbm4b:s1+s4], $0x2800, $0x38;
	[tilespmem:$0x16900] =	vst v63  }
0x25: {  	_ =	swait.ge [sflag:s15], $0x2800  }
0x26: {  	[sflag:s15] =	ssyncset.done $0x0  }
0x27: {  	[sflag:s15] =	ssyncadd.s32 $0xFFFFD800  }
0x28: {  	[spmem:s17], [sflag:s16] =	dma.local [hbm:s8], $0x2800  }
0x29: {  	_ =	swait.ge [sflag:s15], $0x2800  }
0x2a: {  	[sflag:s15] =	ssyncset.done $0x0  }
0x2b: {  	[sflag:s15] =	ssyncadd.s32 $0xFFFFD800  }
0x2c: {  	s22 =	smov.u32 s12;
	s23 =	simm.s32 $0x0;
	[bflag:$0x0] =	sbarrier.arrive $0xFFFF  }
.LBB2_2:
0x2d: {  	_ =	swait.ge [sflag:s18], $0x50  }
0x2e: {  	[sflag:s18] =	ssyncset.done $0x0  }
0x2f: {  	[sflag:s18] =	ssyncadd.s32 $0xFFFFFFB0  }
0x30: {  	[spmem:s3] =	stream.indirect.scatter.add.f32 [tilespmem:s14], [sflag:$0x3], $0x80, s4, s19, $0xb8;
	[tilespmem:$0x16900] =	vst v63  }
0x31: {  	_ =	swait.ge [sflag:s15], $0x2800  }
0x32: {  	s24 =	sshrl.u32 s22, $0x3;
	[sflag:s15] =	ssyncset.done $0x0  }
0x33: {  	s24 =	sadd.s32 s5, s24;
	[sflag:s15] =	ssyncadd.s32 $0xFFFFD800  }
0x34: {  	[tilespmem:s4], [sflag:$0x1] =	stream.linear.gather [hbm4b:s24+s4], $0x50, $0x38;
	[tilespmem:$0x16900] =	vst v63  }
0x35: {  	_ =	swait.ge [sflag:s20], $0x50  }
0x36: {  	p0 =	seq.s32 s23, $0x4C4;
	[sflag:s20] =	ssyncset.done $0x0  }
.Ltmp2:
0x37: {  	[sflag:s20] =	ssyncadd.s32 $0xFFFFFFB0;
	(pc) =	sbr.rel @p0 .LBB2_4-.Ltmp2, $4  }
0x38: {  	[spmem:s3] =	stream.indirect.scatter.add.f32 [tilespmem:s14], [sflag:$0x3], $0x80, s13, s19, $0xb8;
	[tilespmem:$0x16900] =	vst v63  }
0x39: {  	_ =	swait.ge [sflag:s15], $0x2800  }
0x3a: {  	[sflag:s15] =	ssyncset.done $0x0  }
0x3b: {  	[sflag:s15] =	ssyncadd.s32 $0xFFFFD800  }
.Ltmp3:
0x3c: {  	(pc) =	sbr.rel .LBB2_2-.Ltmp3, $3  }
0x3d: {  	_ =	sdelay $0x1  }
0x3e: {  	s24 =	sadd.s32 s23, s11;
	s23 =	sadd.s32 $0x14, s23;
	s22 =	sadd.s32 $0xA0, s22  }
0x3f: {  	[tilespmem:s13], [sflag:$0x2] =	stream.linear.gather [hbm4b:s24+s4], $0x50, $0x38;
	[tilespmem:$0x16900] =	vst v63  }
.LBB2_5:
0x40: {  	_ =	sfence.sel $0x180000  }
0x41: {  	[bflag:$0x0] =	sbarrier.arrive $0xFFFF  }
0x42: {  	p0 =	sne.s32 s2, $0x0;
	_ =	strace $0x90000047  }
0x43: {  	s0 =	sadd.s32 @!p0 $0x100000, s0;
	[bflag:$0x2] =	sbarrier.arrive $0xFFFF  }
0x44: {  	[sflag:s0] =	ssyncadd.tile.s32 @!p0 $0x1;
	_ =	shalt  }
.Lfunc_end2:
_tile_overlayer_lowered:
.L_overlay_start_2:
0x45: {  	(tag) =	ssettag $0x2  }
0x46: {  	s0 =	rddreg [dreg:$0x0];
	s2 =	stileid.u32  }
0x47: {  	s1 =	rddreg [dreg:$0x1];
	p0 =	sne.s32 s2, $0x0  }
0x48: {  	s3 =	rddreg [dreg:$0x2];
	[bflag:$0x3] =	sbarrier.arrive $0xFFFF;
	s2 =	simm.s32 @!p0 $0x1C03  }
0x49: {  	[timem:s3], [sflag:s2] =	dma.local @!p0 [hbm:s0], s1  }
0x4a: {  	s0 =	simm.s32 @!p0 $0x3  }
0x4b: {  	_ =	swait.ge @!p0 [sflag:s0], s1  }
0x4c: {  	s1 =	ssub.s32 @!p0 $0x0, s1;
	[sflag:s0] =	ssyncset.done @!p0 $0x0  }
0x4d: {  	[sflag:s0] =	ssyncadd.s32 @!p0 s1  }
0x4e: {  	[bflag:$0x3] =	sbarrier.arrive $0xFFFF  }
0x4f: {  	_ =	shalt  }

</sc_bundles>
